<compile_context>
chip_gen: v7x
topology: tpu7x:2x2x1
jax: 0.10.2.dev20260603
libtpu: 0.0.44.dev20260713+nightly
codegen_flags: <defaults>
</compile_context>

<pallas_src>
import functools

import jax
import jax.numpy as jnp
from jax.experimental import pallas as pl
from jax.experimental.pallas import tpu as pltpu

_N = 16
_L_LOC = 10
_L_DIR = 4
_SCALE = 3.0
_K = 256
_NCELLS = _N ** 3
_Q = 12


def _encode(v, L):
    parts = [v]
    for j in range(L):
        s = (2.0 ** j) * v
        parts.append(jnp.sin(s))
        parts.append(jnp.cos(s))
    return jnp.concatenate(parts, axis=1)


def _mlp_kernel(cell_ref, start_ref, ex_ref, ed_ref, scid_ref, wp_ref,
                color_ref, dens_ref, scr, sem):
    b = pl.program_id(0)
    s0 = start_ref[b]
    nseg = start_ref[b + 1] - s0

    def issue(seg, slot):
        c = jnp.minimum(cell_ref[s0 + seg], _NCELLS - 1)
        pltpu.make_async_copy(wp_ref.at[c], scr.at[slot], sem.at[slot]).start()

    for q in range(_Q - 1):
        @pl.when(q < nseg)
        def _warm():
            issue(q, q)

    ex = ex_ref[0]
    ed = ed_ref[0]
    scid = scid_ref[0]
    dot = functools.partial(jnp.dot, preferred_element_type=jnp.float32)

    def body(s, carry):
        c_acc, d_acc = carry
        slot = jax.lax.rem(s, _Q)
        nxt = s + _Q - 1

        @pl.when(nxt < nseg)
        def _pref():
            issue(nxt, jax.lax.rem(nxt, _Q))

        cell = cell_ref[s0 + s]
        cw = jnp.minimum(cell, _NCELLS - 1)
        pltpu.make_async_copy(wp_ref.at[cw], scr.at[slot], sem.at[slot]).wait()
        w = scr.at[slot]
        h1 = jnp.maximum(dot(ex, w[0:63, 0:32]) + w[63:64, 0:32], 0.0)
        h2 = jnp.maximum(dot(h1, w[0:32, 64:96]) + w[59:60, 96:128], 0.0)
        za = jnp.maximum(dot(h1, w[27:59, 96:97]) + w[60:61, 96:97], 0.0)
        h3 = dot(h2, w[0:32, 32:64]) + w[61:62, 96:128]
        h4 = jnp.maximum(dot(h3, w[32:64, 32:64])
                         + dot(ed, w[0:27, 96:128]) + w[62:63, 96:128], 0.0)
        c = jax.nn.sigmoid(dot(h4, w[32:64, 64:67]) + w[63:64, 96:99])
        m2 = (scid == cell) & (cell < _NCELLS)
        return (jnp.where(m2, c, c_acc), jnp.where(m2, za, d_acc))

    init = (jnp.zeros((_K, 3), jnp.float32), jnp.zeros((_K, 1), jnp.float32))
    c_acc, d_acc = jax.lax.fori_loop(0, nseg, body, init)
    color_ref[0] = c_acc
    dens_ref[0] = d_acc


def kernel(x, d, weight1, bias1, weight2, bias2, weight3, bias3, weight4,
           bias4, weight5, bias5):
    B = x.shape[0]
    nblk = B // _K
    G = nblk + _NCELLS

    mask = ((jnp.abs(x[:, 0]) < _SCALE / 2)
            & (jnp.abs(x[:, 1]) < _SCALE / 2)
            & (jnp.abs(x[:, 2]) < _SCALE / 2))
    i = jnp.clip((x / (_SCALE / _N) + _N / 2).astype(jnp.int32), 0, _N - 1)
    cid = (i[:, 0] * _N + i[:, 1]) * _N + i[:, 2]
    cid = jnp.where(mask, cid, _NCELLS)

    order = jnp.argsort(cid)
    scid = cid[order]
    xs = x[order]
    ds = d[order]
    ex = _encode(xs, _L_LOC).reshape(nblk, _K, 6 * _L_LOC + 3)
    ed = _encode(ds, _L_DIR).reshape(nblk, _K, 6 * _L_DIR + 3)
    scid3 = scid.reshape(nblk, _K, 1)

    p = jnp.arange(B, dtype=jnp.int32)
    changed = jnp.concatenate(
        [jnp.ones((1,), jnp.bool_), scid[1:] != scid[:-1]])
    flags = ((p % _K) == 0) | changed
    item_pos = jnp.nonzero(flags, size=G, fill_value=B)[0].astype(jnp.int32)
    item_blk = item_pos // _K
    item_cell = scid[jnp.minimum(item_pos, B - 1)]
    starts = jnp.searchsorted(item_blk, jnp.arange(nblk + 1),
                              side='left').astype(jnp.int32)

    def padl(a, w):
        return jnp.pad(a, ((0, 0), (0, 0), (0, w - a.shape[2])))

    w2 = weight2.reshape(_NCELLS, 32, 33)
    b2 = bias2.reshape(_NCELLS, 1, 33)
    col0 = jnp.concatenate([weight1.reshape(_NCELLS, 63, 32),
                            bias1.reshape(_NCELLS, 1, 32)], axis=1)
    col1 = jnp.concatenate([weight3.reshape(_NCELLS, 32, 32),
                            weight4.reshape(_NCELLS, 59, 32)[:, 0:32]], axis=1)
    col2 = jnp.concatenate([w2[:, :, 1:33],
                            padl(weight5.reshape(_NCELLS, 32, 3), 32)], axis=1)
    col3 = jnp.concatenate([
        weight4.reshape(_NCELLS, 59, 32)[:, 32:59],
        padl(w2[:, :, 0:1], 32),
        b2[:, :, 1:33],
        padl(b2[:, :, 0:1], 32),
        bias3.reshape(_NCELLS, 1, 32),
        bias4.reshape(_NCELLS, 1, 32),
        padl(bias5.reshape(_NCELLS, 1, 3), 32),
    ], axis=1)
    wp = jnp.concatenate([col0, col1, col2, col3], axis=2)

    def im_blk(g, cell, start):
        return (g, 0, 0)

    grid_spec = pltpu.PrefetchScalarGridSpec(
        num_scalar_prefetch=2,
        grid=(nblk,),
        in_specs=[
            pl.BlockSpec((1, _K, 63), im_blk),
            pl.BlockSpec((1, _K, 27), im_blk),
            pl.BlockSpec((1, _K, 1), im_blk),
            pl.BlockSpec(memory_space=pl.ANY),
        ],
        out_specs=[
            pl.BlockSpec((1, _K, 3), im_blk),
            pl.BlockSpec((1, _K, 1), im_blk),
        ],
        scratch_shapes=[
            pltpu.VMEM((_Q, 64, 128), jnp.float32),
            pltpu.SemaphoreType.DMA((_Q,)),
        ],
    )
    color_s, dens_s = pl.pallas_call(
        _mlp_kernel,
        grid_spec=grid_spec,
        out_shape=[
            jax.ShapeDtypeStruct((nblk, _K, 3), jnp.float32),
            jax.ShapeDtypeStruct((nblk, _K, 1), jnp.float32),
        ],
    )(item_cell, starts, ex, ed, scid3, wp)

    color = jnp.zeros((B, 3), jnp.float32).at[order].set(color_s.reshape(B, 3))
    density = jnp.zeros((B, 1), jnp.float32).at[order].set(dens_s.reshape(B, 1))
    return (color, density)

# --- scband reference (transcript-rebuilt; emitter-appended) ---
"""Pipeline reference for scband-kilo-ne-rf-7129645711615 (READ-ONLY COPY).

The authoritative reference and input builder live on the scoring server;
editing this copy changes nothing except your own understanding.
"""

import jax, jax.numpy as jnp
import numpy as np

N = 16
L_LOC = 10
L_DIR = 4
SCALE = 3.0


def position_encoding(x, L):
    out = [x]
    for j in range(L):
        out.append(jnp.sin((2.0 ** j) * x))
        out.append(jnp.cos((2.0 ** j) * x))
    return jnp.concatenate(out, axis=1)[:, None, :]


def setup_inputs(seed: int = 0) -> dict:
    key = jax.random.key(seed)
    ks = jax.random.split(key, 8)
    B = 32768
    x = jax.random.normal(ks[0], (B, 3), dtype=jnp.float32)
    d = jax.random.normal(ks[1], (B, 3), dtype=jnp.float32)

    def u(k, shape, fan_in):
        bound = float(np.sqrt(6.0 / fan_in))
        return jax.random.uniform(k, shape, jnp.float32, -bound, bound)

    D1 = L_LOC * 6 + 3  # 63
    D4 = 32 + L_DIR * 6 + 3  # 59
    weight1 = u(ks[2], (N, N, N, D1, 32), D1)
    weight2 = u(ks[3], (N, N, N, 32, 33), 32)
    weight3 = u(ks[4], (N, N, N, 32, 32), 32)
    weight4 = u(ks[5], (N, N, N, D4, 32), D4)
    weight5 = u(ks[6], (N, N, N, 32, 3), 32)
    bias1 = jnp.full((N, N, N, 1, 32), 0.01, jnp.float32)
    bias2 = jnp.full((N, N, N, 1, 33), 0.01, jnp.float32)
    bias3 = jnp.full((N, N, N, 1, 32), 0.01, jnp.float32)
    bias4 = jnp.full((N, N, N, 1, 32), 0.01, jnp.float32)
    bias5 = jnp.full((N, N, N, 1, 3), 0.01, jnp.float32)
    return {
        'x': x, 'd': d,
        'weight1': weight1, 'bias1': bias1,
        'weight2': weight2, 'bias2': bias2,
        'weight3': weight3, 'bias3': bias3,
        'weight4': weight4, 'bias4': bias4,
        'weight5': weight5, 'bias5': bias5,
    }


def reference(x, d, weight1, bias1, weight2, bias2, weight3, bias3, weight4, bias4, weight5, bias5):
    mask = (jnp.abs(x[:, 0]) < SCALE / 2) & (jnp.abs(x[:, 1]) < SCALE / 2) & (jnp.abs(x[:, 2]) < SCALE / 2)
    embbed_x = position_encoding(x, L_LOC)  # [B,1,63]
    embbed_d = position_encoding(d, L_DIR)  # [B,1,27]
    i = jnp.clip((x / (SCALE / N) + N / 2).astype(jnp.int32), 0, N - 1)
    i0, i1, i2 = i[:, 0], i[:, 1], i[:, 2]
    out = jnp.matmul(embbed_x, weight1[i0, i1, i2]) + bias1[i0, i1, i2]
    out = jax.nn.relu(out)
    out = jnp.matmul(out, weight2[i0, i1, i2]) + bias2[i0, i1, i2]
    out = jax.nn.relu(out)
    sigma = jax.nn.relu(out[:, 0, :])[:, 0:1]
    out = out[:, :, 1:]
    out = jnp.matmul(out, weight3[i0, i1, i2]) + bias3[i0, i1, i2]
    out = jnp.concatenate([out, embbed_d], axis=2)
    out = jnp.matmul(out, weight4[i0, i1, i2]) + bias4[i0, i1, i2]
    out = jax.nn.relu(out)
    out = jnp.matmul(out, weight5[i0, i1, i2]) + bias5[i0, i1, i2]
    out = jax.nn.sigmoid(out)
    c = out[:, 0, :]
    color = jnp.where(mask[:, None], c, 0.0)
    density = jnp.where(mask[:, None], sigma, 0.0)
    return (color, density)

if __name__ == "__main__":
    import jax
    _d = setup_inputs()
    print(jax.jit(kernel)(*tuple(_d.values())))

</pallas_src>

<mosaic_0001>
module attributes {stable_mosaic.version = 14 : i64} {
  func.func @_mlp_kernel(%arg0: i32, %arg1: memref<4224xi32, #tpu.memory_space<smem>>, %arg2: memref<129xi32, #tpu.memory_space<smem>>, %arg3: memref<1x256x63xf32, #tpu.memory_space<vmem>>, %arg4: memref<1x256x27xf32, #tpu.memory_space<vmem>>, %arg5: memref<1x256x1xi32, #tpu.memory_space<vmem>>, %arg6: memref<4096x64x128xf32, #tpu.memory_space<any>>, %arg7: memref<1x256x3xf32, #tpu.memory_space<vmem>>, %arg8: memref<1x256x1xf32, #tpu.memory_space<vmem>>, %arg9: memref<12x64x128xf32, #tpu.memory_space<vmem>>, %arg10: memref<12x!tpu.dma_semaphore, #tpu.memory_space<semaphore_mem>>) attributes {dimension_semantics = [#tpu.dimension_semantics<arbitrary>], iteration_bounds = array<i64: 128>, scalar_prefetch = 2 : i64, scratch_operands = 2 : i64, tpu.core_type = #tpu.core_type<tc>, window_params = [{transform_indices = @transform_0, window_bounds = array<i64: 1, 256, 63>}, {transform_indices = @transform_1, window_bounds = array<i64: 1, 256, 27>}, {transform_indices = @transform_2, window_bounds = array<i64: 1, 256, 1>}, {}, {transform_indices = @transform_4, window_bounds = array<i64: 1, 256, 3>}, {transform_indices = @transform_5, window_bounds = array<i64: 1, 256, 1>}]} {
    %get3A = arith.index_cast %arg0 : i32 to index
    %get3A_0 = memref.load %arg2[%get3A] : memref<129xi32, #tpu.memory_space<smem>>
    %add3A = arith.constant 1 : i32
    %add3A_1 = arith.addi %arg0, %add3A : i32
    %get3A_2 = arith.index_cast %add3A_1 : i32 to index
    %get3A_3 = memref.load %arg2[%get3A_2] : memref<129xi32, #tpu.memory_space<smem>>
    %sub3A = arith.subi %get3A_3, %get3A_0 : i32
    %gt3A = arith.constant 0 : i32
    %gt3A_4 = arith.cmpi sgt, %sub3A, %gt3A : i32
    %convert_element_type3A = arith.extui %gt3A_4 : i1 to i32
    %cond3A = arith.constant 0 : i32
    %cond3A_5 = arith.cmpi ne, %convert_element_type3A, %cond3A : i32
    scf.if %cond3A_5 {
      %add3A_95 = arith.constant 0 : i32
      %add3A_96 = arith.addi %get3A_0, %add3A_95 : i32
      %get3A_97 = arith.index_cast %add3A_96 : i32 to index
      %get3A_98 = memref.load %arg1[%get3A_97] : memref<4224xi32, #tpu.memory_space<smem>>
      %min3A = arith.constant 4095 : i32
      %min3A_99 = arith.minsi %get3A_98, %min3A : i32
      %dma_start3A = arith.constant 0 : i32
      %dma_start3A_100 = arith.constant 0 : i32
      %dma_start3A_101 = tpu.memref_slice %arg10[%dma_start3A_100] : memref<12x!tpu.dma_semaphore, #tpu.memory_space<semaphore_mem>> -> memref<1x!tpu.dma_semaphore, #tpu.memory_space<semaphore_mem>>
      %dma_start3A_102 = tpu.memref_squeeze %dma_start3A_101 : memref<1x!tpu.dma_semaphore, #tpu.memory_space<semaphore_mem>> -> memref<!tpu.dma_semaphore, #tpu.memory_space<semaphore_mem>>
      %dma_start3A_103 = arith.constant 0 : i32
      %dma_start3A_104 = arith.constant 0 : i32
      %dma_start3A_105 = tpu.memref_slice %arg9[%dma_start3A, %dma_start3A_103, %dma_start3A_104] : memref<12x64x128xf32, #tpu.memory_space<vmem>> -> memref<1x64x128xf32, #tpu.memory_space<vmem>>
      %dma_start3A_106 = tpu.memref_squeeze %dma_start3A_105 : memref<1x64x128xf32, #tpu.memory_space<vmem>> -> memref<64x128xf32, #tpu.memory_space<vmem>>
      %dma_start3A_107 = arith.constant 0 : i32
      %dma_start3A_108 = arith.constant 0 : i32
      %dma_start3A_109 = tpu.memref_slice %arg6[%min3A_99, %dma_start3A_107, %dma_start3A_108] : memref<4096x64x128xf32, #tpu.memory_space<any>> -> memref<1x64x128xf32, #tpu.memory_space<any>>
      %dma_start3A_110 = tpu.memref_squeeze %dma_start3A_109 : memref<1x64x128xf32, #tpu.memory_space<any>> -> memref<64x128xf32, #tpu.memory_space<any>>
      tpu.enqueue_dma source(%dma_start3A_110 : memref<64x128xf32, #tpu.memory_space<any>>) target(%dma_start3A_106 : memref<64x128xf32, #tpu.memory_space<vmem>>) target_semaphore(%dma_start3A_102 : memref<!tpu.dma_semaphore, #tpu.memory_space<semaphore_mem>>)
    } else {
    }
    %gt3A_6 = arith.constant 1 : i32
    %gt3A_7 = arith.cmpi sgt, %sub3A, %gt3A_6 : i32
    %convert_element_type3A_8 = arith.extui %gt3A_7 : i1 to i32
    %cond3A_9 = arith.constant 0 : i32
    %cond3A_10 = arith.cmpi ne, %convert_element_type3A_8, %cond3A_9 : i32
    scf.if %cond3A_10 {
      %add3A_95 = arith.constant 1 : i32
      %add3A_96 = arith.addi %get3A_0, %add3A_95 : i32
      %get3A_97 = arith.index_cast %add3A_96 : i32 to index
      %get3A_98 = memref.load %arg1[%get3A_97] : memref<4224xi32, #tpu.memory_space<smem>>
      %min3A = arith.constant 4095 : i32
      %min3A_99 = arith.minsi %get3A_98, %min3A : i32
      %dma_start3A = arith.constant 1 : i32
      %dma_start3A_100 = arith.constant 1 : i32
      %dma_start3A_101 = tpu.memref_slice %arg10[%dma_start3A_100] : memref<12x!tpu.dma_semaphore, #tpu.memory_space<semaphore_mem>> -> memref<1x!tpu.dma_semaphore, #tpu.memory_space<semaphore_mem>>
      %dma_start3A_102 = tpu.memref_squeeze %dma_start3A_101 : memref<1x!tpu.dma_semaphore, #tpu.memory_space<semaphore_mem>> -> memref<!tpu.dma_semaphore, #tpu.memory_space<semaphore_mem>>
      %dma_start3A_103 = arith.constant 0 : i32
      %dma_start3A_104 = arith.constant 0 : i32
      %dma_start3A_105 = tpu.memref_slice %arg9[%dma_start3A, %dma_start3A_103, %dma_start3A_104] : memref<12x64x128xf32, #tpu.memory_space<vmem>> -> memref<1x64x128xf32, #tpu.memory_space<vmem>>
      %dma_start3A_106 = tpu.memref_squeeze %dma_start3A_105 : memref<1x64x128xf32, #tpu.memory_space<vmem>> -> memref<64x128xf32, #tpu.memory_space<vmem>>
      %dma_start3A_107 = arith.constant 0 : i32
      %dma_start3A_108 = arith.constant 0 : i32
      %dma_start3A_109 = tpu.memref_slice %arg6[%min3A_99, %dma_start3A_107, %dma_start3A_108] : memref<4096x64x128xf32, #tpu.memory_space<any>> -> memref<1x64x128xf32, #tpu.memory_space<any>>
      %dma_start3A_110 = tpu.memref_squeeze %dma_start3A_109 : memref<1x64x128xf32, #tpu.memory_space<any>> -> memref<64x128xf32, #tpu.memory_space<any>>
      tpu.enqueue_dma source(%dma_start3A_110 : memref<64x128xf32, #tpu.memory_space<any>>) target(%dma_start3A_106 : memref<64x128xf32, #tpu.memory_space<vmem>>) target_semaphore(%dma_start3A_102 : memref<!tpu.dma_semaphore, #tpu.memory_space<semaphore_mem>>)
    } else {
    }
    %gt3A_11 = arith.constant 2 : i32
    %gt3A_12 = arith.cmpi sgt, %sub3A, %gt3A_11 : i32
    %convert_element_type3A_13 = arith.extui %gt3A_12 : i1 to i32
    %cond3A_14 = arith.constant 0 : i32
    %cond3A_15 = arith.cmpi ne, %convert_element_type3A_13, %cond3A_14 : i32
    scf.if %cond3A_15 {
      %add3A_95 = arith.constant 2 : i32
      %add3A_96 = arith.addi %get3A_0, %add3A_95 : i32
      %get3A_97 = arith.index_cast %add3A_96 : i32 to index
      %get3A_98 = memref.load %arg1[%get3A_97] : memref<4224xi32, #tpu.memory_space<smem>>
      %min3A = arith.constant 4095 : i32
      %min3A_99 = arith.minsi %get3A_98, %min3A : i32
      %dma_start3A = arith.constant 2 : i32
      %dma_start3A_100 = arith.constant 2 : i32
      %dma_start3A_101 = tpu.memref_slice %arg10[%dma_start3A_100] : memref<12x!tpu.dma_semaphore, #tpu.memory_space<semaphore_mem>> -> memref<1x!tpu.dma_semaphore, #tpu.memory_space<semaphore_mem>>
      %dma_start3A_102 = tpu.memref_squeeze %dma_start3A_101 : memref<1x!tpu.dma_semaphore, #tpu.memory_space<semaphore_mem>> -> memref<!tpu.dma_semaphore, #tpu.memory_space<semaphore_mem>>
      %dma_start3A_103 = arith.constant 0 : i32
      %dma_start3A_104 = arith.constant 0 : i32
      %dma_start3A_105 = tpu.memref_slice %arg9[%dma_start3A, %dma_start3A_103, %dma_start3A_104] : memref<12x64x128xf32, #tpu.memory_space<vmem>> -> memref<1x64x128xf32, #tpu.memory_space<vmem>>
      %dma_start3A_106 = tpu.memref_squeeze %dma_start3A_105 : memref<1x64x128xf32, #tpu.memory_space<vmem>> -> memref<64x128xf32, #tpu.memory_space<vmem>>
      %dma_start3A_107 = arith.constant 0 : i32
      %dma_start3A_108 = arith.constant 0 : i32
      %dma_start3A_109 = tpu.memref_slice %arg6[%min3A_99, %dma_start3A_107, %dma_start3A_108] : memref<4096x64x128xf32, #tpu.memory_space<any>> -> memref<1x64x128xf32, #tpu.memory_space<any>>
      %dma_start3A_110 = tpu.memref_squeeze %dma_start3A_109 : memref<1x64x128xf32, #tpu.memory_space<any>> -> memref<64x128xf32, #tpu.memory_space<any>>
      tpu.enqueue_dma source(%dma_start3A_110 : memref<64x128xf32, #tpu.memory_space<any>>) target(%dma_start3A_106 : memref<64x128xf32, #tpu.memory_space<vmem>>) target_semaphore(%dma_start3A_102 : memref<!tpu.dma_semaphore, #tpu.memory_space<semaphore_mem>>)
    } else {
    }
    %gt3A_16 = arith.constant 3 : i32
    %gt3A_17 = arith.cmpi sgt, %sub3A, %gt3A_16 : i32
    %convert_element_type3A_18 = arith.extui %gt3A_17 : i1 to i32
    %cond3A_19 = arith.constant 0 : i32
    %cond3A_20 = arith.cmpi ne, %convert_element_type3A_18, %cond3A_19 : i32
    scf.if %cond3A_20 {
      %add3A_95 = arith.constant 3 : i32
      %add3A_96 = arith.addi %get3A_0, %add3A_95 : i32
      %get3A_97 = arith.index_cast %add3A_96 : i32 to index
      %get3A_98 = memref.load %arg1[%get3A_97] : memref<4224xi32, #tpu.memory_space<smem>>
      %min3A = arith.constant 4095 : i32
      %min3A_99 = arith.minsi %get3A_98, %min3A : i32
      %dma_start3A = arith.constant 3 : i32
      %dma_start3A_100 = arith.constant 3 : i32
      %dma_start3A_101 = tpu.memref_slice %arg10[%dma_start3A_100] : memref<12x!tpu.dma_semaphore, #tpu.memory_space<semaphore_mem>> -> memref<1x!tpu.dma_semaphore, #tpu.memory_space<semaphore_mem>>
      %dma_start3A_102 = tpu.memref_squeeze %dma_start3A_101 : memref<1x!tpu.dma_semaphore, #tpu.memory_space<semaphore_mem>> -> memref<!tpu.dma_semaphore, #tpu.memory_space<semaphore_mem>>
      %dma_start3A_103 = arith.constant 0 : i32
      %dma_start3A_104 = arith.constant 0 : i32
      %dma_start3A_105 = tpu.memref_slice %arg9[%dma_start3A, %dma_start3A_103, %dma_start3A_104] : memref<12x64x128xf32, #tpu.memory_space<vmem>> -> memref<1x64x128xf32, #tpu.memory_space<vmem>>
      %dma_start3A_106 = tpu.memref_squeeze %dma_start3A_105 : memref<1x64x128xf32, #tpu.memory_space<vmem>> -> memref<64x128xf32, #tpu.memory_space<vmem>>
      %dma_start3A_107 = arith.constant 0 : i32
      %dma_start3A_108 = arith.constant 0 : i32
      %dma_start3A_109 = tpu.memref_slice %arg6[%min3A_99, %dma_start3A_107, %dma_start3A_108] : memref<4096x64x128xf32, #tpu.memory_space<any>> -> memref<1x64x128xf32, #tpu.memory_space<any>>
      %dma_start3A_110 = tpu.memref_squeeze %dma_start3A_109 : memref<1x64x128xf32, #tpu.memory_space<any>> -> memref<64x128xf32, #tpu.memory_space<any>>
      tpu.enqueue_dma source(%dma_start3A_110 : memref<64x128xf32, #tpu.memory_space<any>>) target(%dma_start3A_106 : memref<64x128xf32, #tpu.memory_space<vmem>>) target_semaphore(%dma_start3A_102 : memref<!tpu.dma_semaphore, #tpu.memory_space<semaphore_mem>>)
    } else {
    }
    %gt3A_21 = arith.constant 4 : i32
    %gt3A_22 = arith.cmpi sgt, %sub3A, %gt3A_21 : i32
    %convert_element_type3A_23 = arith.extui %gt3A_22 : i1 to i32
    %cond3A_24 = arith.constant 0 : i32
    %cond3A_25 = arith.cmpi ne, %convert_element_type3A_23, %cond3A_24 : i32
    scf.if %cond3A_25 {
      %add3A_95 = arith.constant 4 : i32
      %add3A_96 = arith.addi %get3A_0, %add3A_95 : i32
      %get3A_97 = arith.index_cast %add3A_96 : i32 to index
      %get3A_98 = memref.load %arg1[%get3A_97] : memref<4224xi32, #tpu.memory_space<smem>>
      %min3A = arith.constant 4095 : i32
      %min3A_99 = arith.minsi %get3A_98, %min3A : i32
      %dma_start3A = arith.constant 4 : i32
      %dma_start3A_100 = arith.constant 4 : i32
      %dma_start3A_101 = tpu.memref_slice %arg10[%dma_start3A_100] : memref<12x!tpu.dma_semaphore, #tpu.memory_space<semaphore_mem>> -> memref<1x!tpu.dma_semaphore, #tpu.memory_space<semaphore_mem>>
      %dma_start3A_102 = tpu.memref_squeeze %dma_start3A_101 : memref<1x!tpu.dma_semaphore, #tpu.memory_space<semaphore_mem>> -> memref<!tpu.dma_semaphore, #tpu.memory_space<semaphore_mem>>
      %dma_start3A_103 = arith.constant 0 : i32
      %dma_start3A_104 = arith.constant 0 : i32
      %dma_start3A_105 = tpu.memref_slice %arg9[%dma_start3A, %dma_start3A_103, %dma_start3A_104] : memref<12x64x128xf32, #tpu.memory_space<vmem>> -> memref<1x64x128xf32, #tpu.memory_space<vmem>>
      %dma_start3A_106 = tpu.memref_squeeze %dma_start3A_105 : memref<1x64x128xf32, #tpu.memory_space<vmem>> -> memref<64x128xf32, #tpu.memory_space<vmem>>
      %dma_start3A_107 = arith.constant 0 : i32
      %dma_start3A_108 = arith.constant 0 : i32
      %dma_start3A_109 = tpu.memref_slice %arg6[%min3A_99, %dma_start3A_107, %dma_start3A_108] : memref<4096x64x128xf32, #tpu.memory_space<any>> -> memref<1x64x128xf32, #tpu.memory_space<any>>
      %dma_start3A_110 = tpu.memref_squeeze %dma_start3A_109 : memref<1x64x128xf32, #tpu.memory_space<any>> -> memref<64x128xf32, #tpu.memory_space<any>>
      tpu.enqueue_dma source(%dma_start3A_110 : memref<64x128xf32, #tpu.memory_space<any>>) target(%dma_start3A_106 : memref<64x128xf32, #tpu.memory_space<vmem>>) target_semaphore(%dma_start3A_102 : memref<!tpu.dma_semaphore, #tpu.memory_space<semaphore_mem>>)
    } else {
    }
    %gt3A_26 = arith.constant 5 : i32
    %gt3A_27 = arith.cmpi sgt, %sub3A, %gt3A_26 : i32
    %convert_element_type3A_28 = arith.extui %gt3A_27 : i1 to i32
    %cond3A_29 = arith.constant 0 : i32
    %cond3A_30 = arith.cmpi ne, %convert_element_type3A_28, %cond3A_29 : i32
    scf.if %cond3A_30 {
      %add3A_95 = arith.constant 5 : i32
      %add3A_96 = arith.addi %get3A_0, %add3A_95 : i32
      %get3A_97 = arith.index_cast %add3A_96 : i32 to index
      %get3A_98 = memref.load %arg1[%get3A_97] : memref<4224xi32, #tpu.memory_space<smem>>
      %min3A = arith.constant 4095 : i32
      %min3A_99 = arith.minsi %get3A_98, %min3A : i32
      %dma_start3A = arith.constant 5 : i32
      %dma_start3A_100 = arith.constant 5 : i32
      %dma_start3A_101 = tpu.memref_slice %arg10[%dma_start3A_100] : memref<12x!tpu.dma_semaphore, #tpu.memory_space<semaphore_mem>> -> memref<1x!tpu.dma_semaphore, #tpu.memory_space<semaphore_mem>>
      %dma_start3A_102 = tpu.memref_squeeze %dma_start3A_101 : memref<1x!tpu.dma_semaphore, #tpu.memory_space<semaphore_mem>> -> memref<!tpu.dma_semaphore, #tpu.memory_space<semaphore_mem>>
      %dma_start3A_103 = arith.constant 0 : i32
      %dma_start3A_104 = arith.constant 0 : i32
      %dma_start3A_105 = tpu.memref_slice %arg9[%dma_start3A, %dma_start3A_103, %dma_start3A_104] : memref<12x64x128xf32, #tpu.memory_space<vmem>> -> memref<1x64x128xf32, #tpu.memory_space<vmem>>
      %dma_start3A_106 = tpu.memref_squeeze %dma_start3A_105 : memref<1x64x128xf32, #tpu.memory_space<vmem>> -> memref<64x128xf32, #tpu.memory_space<vmem>>
      %dma_start3A_107 = arith.constant 0 : i32
      %dma_start3A_108 = arith.constant 0 : i32
      %dma_start3A_109 = tpu.memref_slice %arg6[%min3A_99, %dma_start3A_107, %dma_start3A_108] : memref<4096x64x128xf32, #tpu.memory_space<any>> -> memref<1x64x128xf32, #tpu.memory_space<any>>
      %dma_start3A_110 = tpu.memref_squeeze %dma_start3A_109 : memref<1x64x128xf32, #tpu.memory_space<any>> -> memref<64x128xf32, #tpu.memory_space<any>>
      tpu.enqueue_dma source(%dma_start3A_110 : memref<64x128xf32, #tpu.memory_space<any>>) target(%dma_start3A_106 : memref<64x128xf32, #tpu.memory_space<vmem>>) target_semaphore(%dma_start3A_102 : memref<!tpu.dma_semaphore, #tpu.memory_space<semaphore_mem>>)
    } else {
    }
    %gt3A_31 = arith.constant 6 : i32
    %gt3A_32 = arith.cmpi sgt, %sub3A, %gt3A_31 : i32
    %convert_element_type3A_33 = arith.extui %gt3A_32 : i1 to i32
    %cond3A_34 = arith.constant 0 : i32
    %cond3A_35 = arith.cmpi ne, %convert_element_type3A_33, %cond3A_34 : i32
    scf.if %cond3A_35 {
      %add3A_95 = arith.constant 6 : i32
      %add3A_96 = arith.addi %get3A_0, %add3A_95 : i32
      %get3A_97 = arith.index_cast %add3A_96 : i32 to index
      %get3A_98 = memref.load %arg1[%get3A_97] : memref<4224xi32, #tpu.memory_space<smem>>
      %min3A = arith.constant 4095 : i32
      %min3A_99 = arith.minsi %get3A_98, %min3A : i32
      %dma_start3A = arith.constant 6 : i32
      %dma_start3A_100 = arith.constant 6 : i32
      %dma_start3A_101 = tpu.memref_slice %arg10[%dma_start3A_100] : memref<12x!tpu.dma_semaphore, #tpu.memory_space<semaphore_mem>> -> memref<1x!tpu.dma_semaphore, #tpu.memory_space<semaphore_mem>>
      %dma_start3A_102 = tpu.memref_squeeze %dma_start3A_101 : memref<1x!tpu.dma_semaphore, #tpu.memory_space<semaphore_mem>> -> memref<!tpu.dma_semaphore, #tpu.memory_space<semaphore_mem>>
      %dma_start3A_103 = arith.constant 0 : i32
      %dma_start3A_104 = arith.constant 0 : i32
      %dma_start3A_105 = tpu.memref_slice %arg9[%dma_start3A, %dma_start3A_103, %dma_start3A_104] : memref<12x64x128xf32, #tpu.memory_space<vmem>> -> memref<1x64x128xf32, #tpu.memory_space<vmem>>
      %dma_start3A_106 = tpu.memref_squeeze %dma_start3A_105 : memref<1x64x128xf32, #tpu.memory_space<vmem>> -> memref<64x128xf32, #tpu.memory_space<vmem>>
      %dma_start3A_107 = arith.constant 0 : i32
      %dma_start3A_108 = arith.constant 0 : i32
      %dma_start3A_109 = tpu.memref_slice %arg6[%min3A_99, %dma_start3A_107, %dma_start3A_108] : memref<4096x64x128xf32, #tpu.memory_space<any>> -> memref<1x64x128xf32, #tpu.memory_space<any>>
      %dma_start3A_110 = tpu.memref_squeeze %dma_start3A_109 : memref<1x64x128xf32, #tpu.memory_space<any>> -> memref<64x128xf32, #tpu.memory_space<any>>
      tpu.enqueue_dma source(%dma_start3A_110 : memref<64x128xf32, #tpu.memory_space<any>>) target(%dma_start3A_106 : memref<64x128xf32, #tpu.memory_space<vmem>>) target_semaphore(%dma_start3A_102 : memref<!tpu.dma_semaphore, #tpu.memory_space<semaphore_mem>>)
    } else {
    }
    %gt3A_36 = arith.constant 7 : i32
    %gt3A_37 = arith.cmpi sgt, %sub3A, %gt3A_36 : i32
    %convert_element_type3A_38 = arith.extui %gt3A_37 : i1 to i32
    %cond3A_39 = arith.constant 0 : i32
    %cond3A_40 = arith.cmpi ne, %convert_element_type3A_38, %cond3A_39 : i32
    scf.if %cond3A_40 {
      %add3A_95 = arith.constant 7 : i32
      %add3A_96 = arith.addi %get3A_0, %add3A_95 : i32
      %get3A_97 = arith.index_cast %add3A_96 : i32 to index
      %get3A_98 = memref.load %arg1[%get3A_97] : memref<4224xi32, #tpu.memory_space<smem>>
      %min3A = arith.constant 4095 : i32
      %min3A_99 = arith.minsi %get3A_98, %min3A : i32
      %dma_start3A = arith.constant 7 : i32
      %dma_start3A_100 = arith.constant 7 : i32
      %dma_start3A_101 = tpu.memref_slice %arg10[%dma_start3A_100] : memref<12x!tpu.dma_semaphore, #tpu.memory_space<semaphore_mem>> -> memref<1x!tpu.dma_semaphore, #tpu.memory_space<semaphore_mem>>
      %dma_start3A_102 = tpu.memref_squeeze %dma_start3A_101 : memref<1x!tpu.dma_semaphore, #tpu.memory_space<semaphore_mem>> -> memref<!tpu.dma_semaphore, #tpu.memory_space<semaphore_mem>>
      %dma_start3A_103 = arith.constant 0 : i32
      %dma_start3A_104 = arith.constant 0 : i32
      %dma_start3A_105 = tpu.memref_slice %arg9[%dma_start3A, %dma_start3A_103, %dma_start3A_104] : memref<12x64x128xf32, #tpu.memory_space<vmem>> -> memref<1x64x128xf32, #tpu.memory_space<vmem>>
      %dma_start3A_106 = tpu.memref_squeeze %dma_start3A_105 : memref<1x64x128xf32, #tpu.memory_space<vmem>> -> memref<64x128xf32, #tpu.memory_space<vmem>>
      %dma_start3A_107 = arith.constant 0 : i32
      %dma_start3A_108 = arith.constant 0 : i32
      %dma_start3A_109 = tpu.memref_slice %arg6[%min3A_99, %dma_start3A_107, %dma_start3A_108] : memref<4096x64x128xf32, #tpu.memory_space<any>> -> memref<1x64x128xf32, #tpu.memory_space<any>>
      %dma_start3A_110 = tpu.memref_squeeze %dma_start3A_109 : memref<1x64x128xf32, #tpu.memory_space<any>> -> memref<64x128xf32, #tpu.memory_space<any>>
      tpu.enqueue_dma source(%dma_start3A_110 : memref<64x128xf32, #tpu.memory_space<any>>) target(%dma_start3A_106 : memref<64x128xf32, #tpu.memory_space<vmem>>) target_semaphore(%dma_start3A_102 : memref<!tpu.dma_semaphore, #tpu.memory_space<semaphore_mem>>)
    } else {
    }
    %gt3A_41 = arith.constant 8 : i32
    %gt3A_42 = arith.cmpi sgt, %sub3A, %gt3A_41 : i32
    %convert_element_type3A_43 = arith.extui %gt3A_42 : i1 to i32
    %cond3A_44 = arith.constant 0 : i32
    %cond3A_45 = arith.cmpi ne, %convert_element_type3A_43, %cond3A_44 : i32
    scf.if %cond3A_45 {
      %add3A_95 = arith.constant 8 : i32
      %add3A_96 = arith.addi %get3A_0, %add3A_95 : i32
      %get3A_97 = arith.index_cast %add3A_96 : i32 to index
      %get3A_98 = memref.load %arg1[%get3A_97] : memref<4224xi32, #tpu.memory_space<smem>>
      %min3A = arith.constant 4095 : i32
      %min3A_99 = arith.minsi %get3A_98, %min3A : i32
      %dma_start3A = arith.constant 8 : i32
      %dma_start3A_100 = arith.constant 8 : i32
      %dma_start3A_101 = tpu.memref_slice %arg10[%dma_start3A_100] : memref<12x!tpu.dma_semaphore, #tpu.memory_space<semaphore_mem>> -> memref<1x!tpu.dma_semaphore, #tpu.memory_space<semaphore_mem>>
      %dma_start3A_102 = tpu.memref_squeeze %dma_start3A_101 : memref<1x!tpu.dma_semaphore, #tpu.memory_space<semaphore_mem>> -> memref<!tpu.dma_semaphore, #tpu.memory_space<semaphore_mem>>
      %dma_start3A_103 = arith.constant 0 : i32
      %dma_start3A_104 = arith.constant 0 : i32
      %dma_start3A_105 = tpu.memref_slice %arg9[%dma_start3A, %dma_start3A_103, %dma_start3A_104] : memref<12x64x128xf32, #tpu.memory_space<vmem>> -> memref<1x64x128xf32, #tpu.memory_space<vmem>>
      %dma_start3A_106 = tpu.memref_squeeze %dma_start3A_105 : memref<1x64x128xf32, #tpu.memory_space<vmem>> -> memref<64x128xf32, #tpu.memory_space<vmem>>
      %dma_start3A_107 = arith.constant 0 : i32
      %dma_start3A_108 = arith.constant 0 : i32
      %dma_start3A_109 = tpu.memref_slice %arg6[%min3A_99, %dma_start3A_107, %dma_start3A_108] : memref<4096x64x128xf32, #tpu.memory_space<any>> -> memref<1x64x128xf32, #tpu.memory_space<any>>
      %dma_start3A_110 = tpu.memref_squeeze %dma_start3A_109 : memref<1x64x128xf32, #tpu.memory_space<any>> -> memref<64x128xf32, #tpu.memory_space<any>>
      tpu.enqueue_dma source(%dma_start3A_110 : memref<64x128xf32, #tpu.memory_space<any>>) target(%dma_start3A_106 : memref<64x128xf32, #tpu.memory_space<vmem>>) target_semaphore(%dma_start3A_102 : memref<!tpu.dma_semaphore, #tpu.memory_space<semaphore_mem>>)
    } else {
    }
    %gt3A_46 = arith.constant 9 : i32
    %gt3A_47 = arith.cmpi sgt, %sub3A, %gt3A_46 : i32
    %convert_element_type3A_48 = arith.extui %gt3A_47 : i1 to i32
    %cond3A_49 = arith.constant 0 : i32
    %cond3A_50 = arith.cmpi ne, %convert_element_type3A_48, %cond3A_49 : i32
    scf.if %cond3A_50 {
      %add3A_95 = arith.constant 9 : i32
      %add3A_96 = arith.addi %get3A_0, %add3A_95 : i32
      %get3A_97 = arith.index_cast %add3A_96 : i32 to index
      %get3A_98 = memref.load %arg1[%get3A_97] : memref<4224xi32, #tpu.memory_space<smem>>
      %min3A = arith.constant 4095 : i32
      %min3A_99 = arith.minsi %get3A_98, %min3A : i32
      %dma_start3A = arith.constant 9 : i32
      %dma_start3A_100 = arith.constant 9 : i32
      %dma_start3A_101 = tpu.memref_slice %arg10[%dma_start3A_100] : memref<12x!tpu.dma_semaphore, #tpu.memory_space<semaphore_mem>> -> memref<1x!tpu.dma_semaphore, #tpu.memory_space<semaphore_mem>>
      %dma_start3A_102 = tpu.memref_squeeze %dma_start3A_101 : memref<1x!tpu.dma_semaphore, #tpu.memory_space<semaphore_mem>> -> memref<!tpu.dma_semaphore, #tpu.memory_space<semaphore_mem>>
      %dma_start3A_103 = arith.constant 0 : i32
      %dma_start3A_104 = arith.constant 0 : i32
      %dma_start3A_105 = tpu.memref_slice %arg9[%dma_start3A, %dma_start3A_103, %dma_start3A_104] : memref<12x64x128xf32, #tpu.memory_space<vmem>> -> memref<1x64x128xf32, #tpu.memory_space<vmem>>
      %dma_start3A_106 = tpu.memref_squeeze %dma_start3A_105 : memref<1x64x128xf32, #tpu.memory_space<vmem>> -> memref<64x128xf32, #tpu.memory_space<vmem>>
      %dma_start3A_107 = arith.constant 0 : i32
      %dma_start3A_108 = arith.constant 0 : i32
      %dma_start3A_109 = tpu.memref_slice %arg6[%min3A_99, %dma_start3A_107, %dma_start3A_108] : memref<4096x64x128xf32, #tpu.memory_space<any>> -> memref<1x64x128xf32, #tpu.memory_space<any>>
      %dma_start3A_110 = tpu.memref_squeeze %dma_start3A_109 : memref<1x64x128xf32, #tpu.memory_space<any>> -> memref<64x128xf32, #tpu.memory_space<any>>
      tpu.enqueue_dma source(%dma_start3A_110 : memref<64x128xf32, #tpu.memory_space<any>>) target(%dma_start3A_106 : memref<64x128xf32, #tpu.memory_space<vmem>>) target_semaphore(%dma_start3A_102 : memref<!tpu.dma_semaphore, #tpu.memory_space<semaphore_mem>>)
    } else {
    }
    %gt3A_51 = arith.constant 10 : i32
    %gt3A_52 = arith.cmpi sgt, %sub3A, %gt3A_51 : i32
    %convert_element_type3A_53 = arith.extui %gt3A_52 : i1 to i32
    %cond3A_54 = arith.constant 0 : i32
    %cond3A_55 = arith.cmpi ne, %convert_element_type3A_53, %cond3A_54 : i32
    scf.if %cond3A_55 {
      %add3A_95 = arith.constant 10 : i32
      %add3A_96 = arith.addi %get3A_0, %add3A_95 : i32
      %get3A_97 = arith.index_cast %add3A_96 : i32 to index
      %get3A_98 = memref.load %arg1[%get3A_97] : memref<4224xi32, #tpu.memory_space<smem>>
      %min3A = arith.constant 4095 : i32
      %min3A_99 = arith.minsi %get3A_98, %min3A : i32
      %dma_start3A = arith.constant 10 : i32
      %dma_start3A_100 = arith.constant 10 : i32
      %dma_start3A_101 = tpu.memref_slice %arg10[%dma_start3A_100] : memref<12x!tpu.dma_semaphore, #tpu.memory_space<semaphore_mem>> -> memref<1x!tpu.dma_semaphore, #tpu.memory_space<semaphore_mem>>
      %dma_start3A_102 = tpu.memref_squeeze %dma_start3A_101 : memref<1x!tpu.dma_semaphore, #tpu.memory_space<semaphore_mem>> -> memref<!tpu.dma_semaphore, #tpu.memory_space<semaphore_mem>>
      %dma_start3A_103 = arith.constant 0 : i32
      %dma_start3A_104 = arith.constant 0 : i32
      %dma_start3A_105 = tpu.memref_slice %arg9[%dma_start3A, %dma_start3A_103, %dma_start3A_104] : memref<12x64x128xf32, #tpu.memory_space<vmem>> -> memref<1x64x128xf32, #tpu.memory_space<vmem>>
      %dma_start3A_106 = tpu.memref_squeeze %dma_start3A_105 : memref<1x64x128xf32, #tpu.memory_space<vmem>> -> memref<64x128xf32, #tpu.memory_space<vmem>>
      %dma_start3A_107 = arith.constant 0 : i32
      %dma_start3A_108 = arith.constant 0 : i32
      %dma_start3A_109 = tpu.memref_slice %arg6[%min3A_99, %dma_start3A_107, %dma_start3A_108] : memref<4096x64x128xf32, #tpu.memory_space<any>> -> memref<1x64x128xf32, #tpu.memory_space<any>>
      %dma_start3A_110 = tpu.memref_squeeze %dma_start3A_109 : memref<1x64x128xf32, #tpu.memory_space<any>> -> memref<64x128xf32, #tpu.memory_space<any>>
      tpu.enqueue_dma source(%dma_start3A_110 : memref<64x128xf32, #tpu.memory_space<any>>) target(%dma_start3A_106 : memref<64x128xf32, #tpu.memory_space<vmem>>) target_semaphore(%dma_start3A_102 : memref<!tpu.dma_semaphore, #tpu.memory_space<semaphore_mem>>)
    } else {
    }
    %get3A_56 = arith.constant 0 : index
    %get3A_57 = arith.constant 0 : index
    %get3A_58 = arith.constant 0 : index
    %get3A_59 = vector.load %arg3[%get3A_56, %get3A_57, %get3A_58] : memref<1x256x63xf32, #tpu.memory_space<vmem>>, vector<1x256x63xf32>
    %get3A_60 = vector.shape_cast %get3A_59 : vector<1x256x63xf32> to vector<256x63xf32>
    %get3A_61 = arith.constant 0 : index
    %get3A_62 = arith.constant 0 : index
    %get3A_63 = arith.constant 0 : index
    %get3A_64 = vector.load %arg4[%get3A_61, %get3A_62, %get3A_63] : memref<1x256x27xf32, #tpu.memory_space<vmem>>, vector<1x256x27xf32>
    %get3A_65 = vector.shape_cast %get3A_64 : vector<1x256x27xf32> to vector<256x27xf32>
    %get3A_66 = arith.constant 0 : index
    %get3A_67 = arith.constant 0 : index
    %get3A_68 = arith.constant 0 : index
    %get3A_69 = vector.load %arg5[%get3A_66, %get3A_67, %get3A_68] : memref<1x256x1xi32, #tpu.memory_space<vmem>>, vector<1x256x1xi32>
    %get3A_70 = vector.shape_cast %get3A_69 : vector<1x256x1xi32> to vector<256x1xi32>
    %broadcast_in_dim3A = arith.constant 0.000000e+00 : f32
    %broadcast_in_dim3A_71 = vector.broadcast %broadcast_in_dim3A : f32 to vector<256x3xf32>
    %broadcast_in_dim3A_72 = arith.constant 0.000000e+00 : f32
    %broadcast_in_dim3A_73 = vector.broadcast %broadcast_in_dim3A_72 : f32 to vector<256x1xf32>
    %while3A = arith.constant 0 : i32
    %while3A_74 = arith.subi %sub3A, %while3A : i32
    %while3A_75 = arith.addi %while3A, %while3A_74 : i32
    %while3A_76 = arith.constant 1 : i32
    %while3A_77 = arith.divsi %while3A_74, %while3A_76 : i32
    %while3A_78 = arith.muli %while3A_77, %while3A_76 : i32
    %while3A_79 = arith.addi %while3A, %while3A_78 : i32
    %while3A_80 = arith.constant 1 : i32
    %while3A_81:2 = scf.for %while3A_95 = %while3A to %while3A_79 step %while3A_80 iter_args(%while3A_96 = %broadcast_in_dim3A_71, %while3A_97 = %broadcast_in_dim3A_73) -> (vector<256x3xf32>, vector<256x1xf32>)  : i32 {
      %rem3A = arith.constant 12 : i32
      %rem3A_98 = arith.remsi %while3A_95, %rem3A : i32
      %add3A_99 = arith.constant 12 : i32
      %add3A_100 = arith.addi %while3A_95, %add3A_99 : i32
      %sub3A_101 = arith.constant 1 : i32
      %sub3A_102 = arith.subi %add3A_100, %sub3A_101 : i32
      %lt3A = arith.cmpi slt, %sub3A_102, %sub3A : i32
      %convert_element_type3A_103 = arith.extui %lt3A : i1 to i32
      %cond3A_104 = arith.constant 0 : i32
      %cond3A_105 = arith.cmpi ne, %convert_element_type3A_103, %cond3A_104 : i32
      scf.if %cond3A_105 {
        %rem3A_259 = arith.constant 12 : i32
        %rem3A_260 = arith.remsi %sub3A_102, %rem3A_259 : i32
        %add3A_261 = arith.addi %get3A_0, %sub3A_102 : i32
        %get3A_262 = arith.index_cast %add3A_261 : i32 to index
        %get3A_263 = memref.load %arg1[%get3A_262] : memref<4224xi32, #tpu.memory_space<smem>>
        %min3A_264 = arith.constant 4095 : i32
        %min3A_265 = arith.minsi %get3A_263, %min3A_264 : i32
        %dma_start3A = tpu.memref_slice %arg10[%rem3A_260] : memref<12x!tpu.dma_semaphore, #tpu.memory_space<semaphore_mem>> -> memref<1x!tpu.dma_semaphore, #tpu.memory_space<semaphore_mem>>
        %dma_start3A_266 = tpu.memref_squeeze %dma_start3A : memref<1x!tpu.dma_semaphore, #tpu.memory_space<semaphore_mem>> -> memref<!tpu.dma_semaphore, #tpu.memory_space<semaphore_mem>>
        %dma_start3A_267 = arith.constant 0 : i32
        %dma_start3A_268 = arith.constant 0 : i32
        %dma_start3A_269 = tpu.memref_slice %arg9[%rem3A_260, %dma_start3A_267, %dma_start3A_268] : memref<12x64x128xf32, #tpu.memory_space<vmem>> -> memref<1x64x128xf32, #tpu.memory_space<vmem>>
        %dma_start3A_270 = tpu.memref_squeeze %dma_start3A_269 : memref<1x64x128xf32, #tpu.memory_space<vmem>> -> memref<64x128xf32, #tpu.memory_space<vmem>>
        %dma_start3A_271 = arith.constant 0 : i32
        %dma_start3A_272 = arith.constant 0 : i32
        %dma_start3A_273 = tpu.memref_slice %arg6[%min3A_265, %dma_start3A_271, %dma_start3A_272] : memref<4096x64x128xf32, #tpu.memory_space<any>> -> memref<1x64x128xf32, #tpu.memory_space<any>>
        %dma_start3A_274 = tpu.memref_squeeze %dma_start3A_273 : memref<1x64x128xf32, #tpu.memory_space<any>> -> memref<64x128xf32, #tpu.memory_space<any>>
        tpu.enqueue_dma source(%dma_start3A_274 : memref<64x128xf32, #tpu.memory_space<any>>) target(%dma_start3A_270 : memref<64x128xf32, #tpu.memory_space<vmem>>) target_semaphore(%dma_start3A_266 : memref<!tpu.dma_semaphore, #tpu.memory_space<semaphore_mem>>)
      } else {
      }
      %add3A_106 = arith.addi %get3A_0, %while3A_95 : i32
      %get3A_107 = arith.index_cast %add3A_106 : i32 to index
      %get3A_108 = memref.load %arg1[%get3A_107] : memref<4224xi32, #tpu.memory_space<smem>>
      %min3A = arith.constant 4095 : i32
      %min3A_109 = arith.minsi %get3A_108, %min3A : i32
      %dma_wait3A = tpu.memref_slice %arg10[%rem3A_98] : memref<12x!tpu.dma_semaphore, #tpu.memory_space<semaphore_mem>> -> memref<1x!tpu.dma_semaphore, #tpu.memory_space<semaphore_mem>>
      %dma_wait3A_110 = tpu.memref_squeeze %dma_wait3A : memref<1x!tpu.dma_semaphore, #tpu.memory_space<semaphore_mem>> -> memref<!tpu.dma_semaphore, #tpu.memory_space<semaphore_mem>>
      %dma_wait3A_111 = arith.constant 0 : i32
      %dma_wait3A_112 = arith.constant 0 : i32
      %dma_wait3A_113 = tpu.memref_slice %arg9[%rem3A_98, %dma_wait3A_111, %dma_wait3A_112] : memref<12x64x128xf32, #tpu.memory_space<vmem>> -> memref<1x64x128xf32, #tpu.memory_space<vmem>>
      %dma_wait3A_114 = tpu.memref_squeeze %dma_wait3A_113 : memref<1x64x128xf32, #tpu.memory_space<vmem>> -> memref<64x128xf32, #tpu.memory_space<vmem>>
      %dma_wait3A_115 = arith.constant 0 : i32
      %dma_wait3A_116 = arith.constant 0 : i32
      %dma_wait3A_117 = tpu.memref_slice %arg6[%min3A_109, %dma_wait3A_115, %dma_wait3A_116] : memref<4096x64x128xf32, #tpu.memory_space<any>> -> memref<1x64x128xf32, #tpu.memory_space<any>>
      %dma_wait3A_118 = tpu.memref_squeeze %dma_wait3A_117 : memref<1x64x128xf32, #tpu.memory_space<any>> -> memref<64x128xf32, #tpu.memory_space<any>>
      tpu.wait_dma2 semaphore(%dma_wait3A_110 : memref<!tpu.dma_semaphore, #tpu.memory_space<semaphore_mem>>) src(%dma_wait3A_118 : memref<64x128xf32, #tpu.memory_space<any>>) dst(%dma_wait3A_114 : memref<64x128xf32, #tpu.memory_space<vmem>>)
      %get3A_119 = arith.constant 0 : i32
      %get3A_120 = arith.constant 0 : i32
      %get3A_121 = tpu.memref_slice %arg9[%rem3A_98, %get3A_119, %get3A_120] : memref<12x64x128xf32, #tpu.memory_space<vmem>> -> memref<1x64x128xf32, #tpu.memory_space<vmem>>
      %get3A_122 = tpu.memref_squeeze %get3A_121 : memref<1x64x128xf32, #tpu.memory_space<vmem>> -> memref<64x128xf32, #tpu.memory_space<vmem>>
      %get3A_123 = arith.constant 0 : index
      %get3A_124 = arith.constant 0 : index
      %get3A_125 = vector.load %get3A_122[%get3A_123, %get3A_124] : memref<64x128xf32, #tpu.memory_space<vmem>>, vector<63x32xf32>
      %dot_general3A = arith.constant dense<0.000000e+00> : vector<256x32xf32>
      %dot_general3A_126 = tpu.matmul %get3A_60, %get3A_125, %dot_general3A {dimension_numbers = #tpu.dot_dimension_numbers<[1], [0], [0], [1], [0, 0, 1, 1], [], []>, transpose_lhs_hint = false} : vector<256x63xf32>, vector<63x32xf32>, vector<256x32xf32> -> vector<256x32xf32>
      %get3A_127 = arith.constant 0 : i32
      %get3A_128 = arith.constant 0 : i32
      %get3A_129 = tpu.memref_slice %arg9[%rem3A_98, %get3A_127, %get3A_128] : memref<12x64x128xf32, #tpu.memory_space<vmem>> -> memref<1x64x128xf32, #tpu.memory_space<vmem>>
      %get3A_130 = tpu.memref_squeeze %get3A_129 : memref<1x64x128xf32, #tpu.memory_space<vmem>> -> memref<64x128xf32, #tpu.memory_space<vmem>>
      %get3A_131 = arith.constant 63 : index
      %get3A_132 = arith.constant 0 : index
      %get3A_133 = vector.load %get3A_130[%get3A_131, %get3A_132] : memref<64x128xf32, #tpu.memory_space<vmem>>, vector<1x32xf32>
      %add3A_134 = vector.broadcast %get3A_133 : vector<1x32xf32> to vector<256x32xf32>
      %add3A_135 = arith.addf %dot_general3A_126, %add3A_134 : vector<256x32xf32>
      %max3A = arith.constant 0.000000e+00 : f32
      %max3A_136 = vector.broadcast %max3A : f32 to vector<256x32xf32>
      %max3A_137 = arith.maximumf %add3A_135, %max3A_136 : vector<256x32xf32>
      %get3A_138 = arith.constant 0 : i32
      %get3A_139 = arith.constant 0 : i32
      %get3A_140 = tpu.memref_slice %arg9[%rem3A_98, %get3A_138, %get3A_139] : memref<12x64x128xf32, #tpu.memory_space<vmem>> -> memref<1x64x128xf32, #tpu.memory_space<vmem>>
      %get3A_141 = tpu.memref_squeeze %get3A_140 : memref<1x64x128xf32, #tpu.memory_space<vmem>> -> memref<64x128xf32, #tpu.memory_space<vmem>>
      %get3A_142 = arith.constant 0 : index
      %get3A_143 = arith.constant 64 : index
      %get3A_144 = vector.load %get3A_141[%get3A_142, %get3A_143] : memref<64x128xf32, #tpu.memory_space<vmem>>, vector<32x32xf32>
      %dot_general3A_145 = arith.constant dense<0.000000e+00> : vector<256x32xf32>
      %dot_general3A_146 = tpu.matmul %max3A_137, %get3A_144, %dot_general3A_145 {dimension_numbers = #tpu.dot_dimension_numbers<[1], [0], [0], [1], [0, 0, 1, 1], [], []>, transpose_lhs_hint = false} : vector<256x32xf32>, vector<32x32xf32>, vector<256x32xf32> -> vector<256x32xf32>
      %get3A_147 = arith.constant 0 : i32
      %get3A_148 = arith.constant 0 : i32
      %get3A_149 = tpu.memref_slice %arg9[%rem3A_98, %get3A_147, %get3A_148] : memref<12x64x128xf32, #tpu.memory_space<vmem>> -> memref<1x64x128xf32, #tpu.memory_space<vmem>>
      %get3A_150 = tpu.memref_squeeze %get3A_149 : memref<1x64x128xf32, #tpu.memory_space<vmem>> -> memref<64x128xf32, #tpu.memory_space<vmem>>
      %get3A_151 = arith.constant 59 : index
      %get3A_152 = arith.constant 96 : index
      %get3A_153 = vector.load %get3A_150[%get3A_151, %get3A_152] : memref<64x128xf32, #tpu.memory_space<vmem>>, vector<1x32xf32>
      %add3A_154 = vector.broadcast %get3A_153 : vector<1x32xf32> to vector<256x32xf32>
      %add3A_155 = arith.addf %dot_general3A_146, %add3A_154 : vector<256x32xf32>
      %max3A_156 = arith.constant 0.000000e+00 : f32
      %max3A_157 = vector.broadcast %max3A_156 : f32 to vector<256x32xf32>
      %max3A_158 = arith.maximumf %add3A_155, %max3A_157 : vector<256x32xf32>
      %get3A_159 = arith.constant 0 : i32
      %get3A_160 = arith.constant 0 : i32
      %get3A_161 = tpu.memref_slice %arg9[%rem3A_98, %get3A_159, %get3A_160] : memref<12x64x128xf32, #tpu.memory_space<vmem>> -> memref<1x64x128xf32, #tpu.memory_space<vmem>>
      %get3A_162 = tpu.memref_squeeze %get3A_161 : memref<1x64x128xf32, #tpu.memory_space<vmem>> -> memref<64x128xf32, #tpu.memory_space<vmem>>
      %get3A_163 = arith.constant 27 : index
      %get3A_164 = arith.constant 96 : index
      %get3A_165 = vector.load %get3A_162[%get3A_163, %get3A_164] : memref<64x128xf32, #tpu.memory_space<vmem>>, vector<32x1xf32>
      %dot_general3A_166 = arith.constant dense<0.000000e+00> : vector<256x1xf32>
      %dot_general3A_167 = tpu.matmul %max3A_137, %get3A_165, %dot_general3A_166 {dimension_numbers = #tpu.dot_dimension_numbers<[1], [0], [0], [1], [0, 0, 1, 1], [], []>, transpose_lhs_hint = false} : vector<256x32xf32>, vector<32x1xf32>, vector<256x1xf32> -> vector<256x1xf32>
      %get3A_168 = arith.constant 0 : i32
      %get3A_169 = arith.constant 0 : i32
      %get3A_170 = tpu.memref_slice %arg9[%rem3A_98, %get3A_168, %get3A_169] : memref<12x64x128xf32, #tpu.memory_space<vmem>> -> memref<1x64x128xf32, #tpu.memory_space<vmem>>
      %get3A_171 = tpu.memref_squeeze %get3A_170 : memref<1x64x128xf32, #tpu.memory_space<vmem>> -> memref<64x128xf32, #tpu.memory_space<vmem>>
      %get3A_172 = arith.constant 60 : index
      %get3A_173 = arith.constant 96 : index
      %get3A_174 = vector.load %get3A_171[%get3A_172, %get3A_173] : memref<64x128xf32, #tpu.memory_space<vmem>>, vector<1x1xf32>
      %add3A_175 = vector.broadcast %get3A_174 : vector<1x1xf32> to vector<256x1xf32>
      %add3A_176 = arith.addf %dot_general3A_167, %add3A_175 : vector<256x1xf32>
      %max3A_177 = arith.constant 0.000000e+00 : f32
      %max3A_178 = vector.broadcast %max3A_177 : f32 to vector<256x1xf32>
      %max3A_179 = arith.maximumf %add3A_176, %max3A_178 : vector<256x1xf32>
      %get3A_180 = arith.constant 0 : i32
      %get3A_181 = arith.constant 0 : i32
      %get3A_182 = tpu.memref_slice %arg9[%rem3A_98, %get3A_180, %get3A_181] : memref<12x64x128xf32, #tpu.memory_space<vmem>> -> memref<1x64x128xf32, #tpu.memory_space<vmem>>
      %get3A_183 = tpu.memref_squeeze %get3A_182 : memref<1x64x128xf32, #tpu.memory_space<vmem>> -> memref<64x128xf32, #tpu.memory_space<vmem>>
      %get3A_184 = arith.constant 0 : index
      %get3A_185 = arith.constant 32 : index
      %get3A_186 = vector.load %get3A_183[%get3A_184, %get3A_185] : memref<64x128xf32, #tpu.memory_space<vmem>>, vector<32x32xf32>
      %dot_general3A_187 = arith.constant dense<0.000000e+00> : vector<256x32xf32>
      %dot_general3A_188 = tpu.matmul %max3A_158, %get3A_186, %dot_general3A_187 {dimension_numbers = #tpu.dot_dimension_numbers<[1], [0], [0], [1], [0, 0, 1, 1], [], []>, transpose_lhs_hint = false} : vector<256x32xf32>, vector<32x32xf32>, vector<256x32xf32> -> vector<256x32xf32>
      %get3A_189 = arith.constant 0 : i32
      %get3A_190 = arith.constant 0 : i32
      %get3A_191 = tpu.memref_slice %arg9[%rem3A_98, %get3A_189, %get3A_190] : memref<12x64x128xf32, #tpu.memory_space<vmem>> -> memref<1x64x128xf32, #tpu.memory_space<vmem>>
      %get3A_192 = tpu.memref_squeeze %get3A_191 : memref<1x64x128xf32, #tpu.memory_space<vmem>> -> memref<64x128xf32, #tpu.memory_space<vmem>>
      %get3A_193 = arith.constant 61 : index
      %get3A_194 = arith.constant 96 : index
      %get3A_195 = vector.load %get3A_192[%get3A_193, %get3A_194] : memref<64x128xf32, #tpu.memory_space<vmem>>, vector<1x32xf32>
      %add3A_196 = vector.broadcast %get3A_195 : vector<1x32xf32> to vector<256x32xf32>
      %add3A_197 = arith.addf %dot_general3A_188, %add3A_196 : vector<256x32xf32>
      %get3A_198 = arith.constant 0 : i32
      %get3A_199 = arith.constant 0 : i32
      %get3A_200 = tpu.memref_slice %arg9[%rem3A_98, %get3A_198, %get3A_199] : memref<12x64x128xf32, #tpu.memory_space<vmem>> -> memref<1x64x128xf32, #tpu.memory_space<vmem>>
      %get3A_201 = tpu.memref_squeeze %get3A_200 : memref<1x64x128xf32, #tpu.memory_space<vmem>> -> memref<64x128xf32, #tpu.memory_space<vmem>>
      %get3A_202 = arith.constant 32 : index
      %get3A_203 = arith.constant 32 : index
      %get3A_204 = vector.load %get3A_201[%get3A_202, %get3A_203] : memref<64x128xf32, #tpu.memory_space<vmem>>, vector<32x32xf32>
      %dot_general3A_205 = arith.constant dense<0.000000e+00> : vector<256x32xf32>
      %dot_general3A_206 = tpu.matmul %add3A_197, %get3A_204, %dot_general3A_205 {dimension_numbers = #tpu.dot_dimension_numbers<[1], [0], [0], [1], [0, 0, 1, 1], [], []>, transpose_lhs_hint = false} : vector<256x32xf32>, vector<32x32xf32>, vector<256x32xf32> -> vector<256x32xf32>
      %get3A_207 = arith.constant 0 : i32
      %get3A_208 = arith.constant 0 : i32
      %get3A_209 = tpu.memref_slice %arg9[%rem3A_98, %get3A_207, %get3A_208] : memref<12x64x128xf32, #tpu.memory_space<vmem>> -> memref<1x64x128xf32, #tpu.memory_space<vmem>>
      %get3A_210 = tpu.memref_squeeze %get3A_209 : memref<1x64x128xf32, #tpu.memory_space<vmem>> -> memref<64x128xf32, #tpu.memory_space<vmem>>
      %get3A_211 = arith.constant 0 : index
      %get3A_212 = arith.constant 96 : index
      %get3A_213 = vector.load %get3A_210[%get3A_211, %get3A_212] : memref<64x128xf32, #tpu.memory_space<vmem>>, vector<27x32xf32>
      %dot_general3A_214 = arith.constant dense<0.000000e+00> : vector<256x32xf32>
      %dot_general3A_215 = tpu.matmul %get3A_65, %get3A_213, %dot_general3A_214 {dimension_numbers = #tpu.dot_dimension_numbers<[1], [0], [0], [1], [0, 0, 1, 1], [], []>, transpose_lhs_hint = false} : vector<256x27xf32>, vector<27x32xf32>, vector<256x32xf32> -> vector<256x32xf32>
      %add3A_216 = arith.addf %dot_general3A_206, %dot_general3A_215 : vector<256x32xf32>
      %get3A_217 = arith.constant 0 : i32
      %get3A_218 = arith.constant 0 : i32
      %get3A_219 = tpu.memref_slice %arg9[%rem3A_98, %get3A_217, %get3A_218] : memref<12x64x128xf32, #tpu.memory_space<vmem>> -> memref<1x64x128xf32, #tpu.memory_space<vmem>>
      %get3A_220 = tpu.memref_squeeze %get3A_219 : memref<1x64x128xf32, #tpu.memory_space<vmem>> -> memref<64x128xf32, #tpu.memory_space<vmem>>
      %get3A_221 = arith.constant 62 : index
      %get3A_222 = arith.constant 96 : index
      %get3A_223 = vector.load %get3A_220[%get3A_221, %get3A_222] : memref<64x128xf32, #tpu.memory_space<vmem>>, vector<1x32xf32>
      %add3A_224 = vector.broadcast %get3A_223 : vector<1x32xf32> to vector<256x32xf32>
      %add3A_225 = arith.addf %add3A_216, %add3A_224 : vector<256x32xf32>
      %max3A_226 = arith.constant 0.000000e+00 : f32
      %max3A_227 = vector.broadcast %max3A_226 : f32 to vector<256x32xf32>
      %max3A_228 = arith.maximumf %add3A_225, %max3A_227 : vector<256x32xf32>
      %get3A_229 = arith.constant 0 : i32
      %get3A_230 = arith.constant 0 : i32
      %get3A_231 = tpu.memref_slice %arg9[%rem3A_98, %get3A_229, %get3A_230] : memref<12x64x128xf32, #tpu.memory_space<vmem>> -> memref<1x64x128xf32, #tpu.memory_space<vmem>>
      %get3A_232 = tpu.memref_squeeze %get3A_231 : memref<1x64x128xf32, #tpu.memory_space<vmem>> -> memref<64x128xf32, #tpu.memory_space<vmem>>
      %get3A_233 = arith.constant 32 : index
      %get3A_234 = arith.constant 64 : index
      %get3A_235 = vector.load %get3A_232[%get3A_233, %get3A_234] : memref<64x128xf32, #tpu.memory_space<vmem>>, vector<32x3xf32>
      %dot_general3A_236 = arith.constant dense<0.000000e+00> : vector<256x3xf32>
      %dot_general3A_237 = tpu.matmul %max3A_228, %get3A_235, %dot_general3A_236 {dimension_numbers = #tpu.dot_dimension_numbers<[1], [0], [0], [1], [0, 0, 1, 1], [], []>, transpose_lhs_hint = false} : vector<256x32xf32>, vector<32x3xf32>, vector<256x3xf32> -> vector<256x3xf32>
      %get3A_238 = arith.constant 0 : i32
      %get3A_239 = arith.constant 0 : i32
      %get3A_240 = tpu.memref_slice %arg9[%rem3A_98, %get3A_238, %get3A_239] : memref<12x64x128xf32, #tpu.memory_space<vmem>> -> memref<1x64x128xf32, #tpu.memory_space<vmem>>
      %get3A_241 = tpu.memref_squeeze %get3A_240 : memref<1x64x128xf32, #tpu.memory_space<vmem>> -> memref<64x128xf32, #tpu.memory_space<vmem>>
      %get3A_242 = arith.constant 63 : index
      %get3A_243 = arith.constant 96 : index
      %get3A_244 = vector.load %get3A_241[%get3A_242, %get3A_243] : memref<64x128xf32, #tpu.memory_space<vmem>>, vector<1x3xf32>
      %add3A_245 = vector.broadcast %get3A_244 : vector<1x3xf32> to vector<256x3xf32>
      %add3A_246 = arith.addf %dot_general3A_237, %add3A_245 : vector<256x3xf32>
      %logistic3A = arith.negf %add3A_246 : vector<256x3xf32>
      %logistic3A_247 = math.exp %logistic3A : vector<256x3xf32>
      %logistic3A_248 = arith.constant 1.000000e+00 : f32
      %logistic3A_249 = vector.broadcast %logistic3A_248 : f32 to vector<256x3xf32>
      %logistic3A_250 = arith.addf %logistic3A_249, %logistic3A_247 : vector<256x3xf32>
      %logistic3A_251 = arith.divf %logistic3A_249, %logistic3A_250 : vector<256x3xf32>
      %eq3A = vector.broadcast %get3A_108 : i32 to vector<256x1xi32>
      %eq3A_252 = arith.cmpi eq, %get3A_70, %eq3A : vector<256x1xi32>
      %lt3A_253 = arith.constant 4096 : i32
      %lt3A_254 = arith.cmpi slt, %get3A_108, %lt3A_253 : i32
      %and3A = vector.broadcast %lt3A_254 : i1 to vector<256x1xi1>
      %and3A_255 = arith.andi %eq3A_252, %and3A : vector<256x1xi1>
      %broadcast_in_dim3A_256 = vector.shape_cast %and3A_255 : vector<256x1xi1> to vector<256x1xi1>
      %broadcast_in_dim3A_257 = vector.broadcast %broadcast_in_dim3A_256 : vector<256x1xi1> to vector<256x3xi1>
      %select_n3A = arith.select %broadcast_in_dim3A_257, %logistic3A_251, %while3A_96 : vector<256x3xi1>, vector<256x3xf32>
      %select_n3A_258 = arith.select %and3A_255, %max3A_179, %while3A_97 : vector<256x1xi1>, vector<256x1xf32>
      scf.yield %select_n3A, %select_n3A_258 : vector<256x3xf32>, vector<256x1xf32>
    }
    %while3A_82 = arith.constant 1 : i32
    %while3A_83:2 = scf.for %while3A_95 = %while3A_79 to %while3A_75 step %while3A_82 iter_args(%while3A_96 = %while3A_81#0, %while3A_97 = %while3A_81#1) -> (vector<256x3xf32>, vector<256x1xf32>)  : i32 {
      %rem3A = arith.constant 12 : i32
      %rem3A_98 = arith.remsi %while3A_95, %rem3A : i32
      %add3A_99 = arith.constant 12 : i32
      %add3A_100 = arith.addi %while3A_95, %add3A_99 : i32
      %sub3A_101 = arith.constant 1 : i32
      %sub3A_102 = arith.subi %add3A_100, %sub3A_101 : i32
      %lt3A = arith.cmpi slt, %sub3A_102, %sub3A : i32
      %convert_element_type3A_103 = arith.extui %lt3A : i1 to i32
      %cond3A_104 = arith.constant 0 : i32
      %cond3A_105 = arith.cmpi ne, %convert_element_type3A_103, %cond3A_104 : i32
      scf.if %cond3A_105 {
        %rem3A_259 = arith.constant 12 : i32
        %rem3A_260 = arith.remsi %sub3A_102, %rem3A_259 : i32
        %add3A_261 = arith.addi %get3A_0, %sub3A_102 : i32
        %get3A_262 = arith.index_cast %add3A_261 : i32 to index
        %get3A_263 = memref.load %arg1[%get3A_262] : memref<4224xi32, #tpu.memory_space<smem>>
        %min3A_264 = arith.constant 4095 : i32
        %min3A_265 = arith.minsi %get3A_263, %min3A_264 : i32
        %dma_start3A = tpu.memref_slice %arg10[%rem3A_260] : memref<12x!tpu.dma_semaphore, #tpu.memory_space<semaphore_mem>> -> memref<1x!tpu.dma_semaphore, #tpu.memory_space<semaphore_mem>>
        %dma_start3A_266 = tpu.memref_squeeze %dma_start3A : memref<1x!tpu.dma_semaphore, #tpu.memory_space<semaphore_mem>> -> memref<!tpu.dma_semaphore, #tpu.memory_space<semaphore_mem>>
        %dma_start3A_267 = arith.constant 0 : i32
        %dma_start3A_268 = arith.constant 0 : i32
        %dma_start3A_269 = tpu.memref_slice %arg9[%rem3A_260, %dma_start3A_267, %dma_start3A_268] : memref<12x64x128xf32, #tpu.memory_space<vmem>> -> memref<1x64x128xf32, #tpu.memory_space<vmem>>
        %dma_start3A_270 = tpu.memref_squeeze %dma_start3A_269 : memref<1x64x128xf32, #tpu.memory_space<vmem>> -> memref<64x128xf32, #tpu.memory_space<vmem>>
        %dma_start3A_271 = arith.constant 0 : i32
        %dma_start3A_272 = arith.constant 0 : i32
        %dma_start3A_273 = tpu.memref_slice %arg6[%min3A_265, %dma_start3A_271, %dma_start3A_272] : memref<4096x64x128xf32, #tpu.memory_space<any>> -> memref<1x64x128xf32, #tpu.memory_space<any>>
        %dma_start3A_274 = tpu.memref_squeeze %dma_start3A_273 : memref<1x64x128xf32, #tpu.memory_space<any>> -> memref<64x128xf32, #tpu.memory_space<any>>
        tpu.enqueue_dma source(%dma_start3A_274 : memref<64x128xf32, #tpu.memory_space<any>>) target(%dma_start3A_270 : memref<64x128xf32, #tpu.memory_space<vmem>>) target_semaphore(%dma_start3A_266 : memref<!tpu.dma_semaphore, #tpu.memory_space<semaphore_mem>>)
      } else {
      }
      %add3A_106 = arith.addi %get3A_0, %while3A_95 : i32
      %get3A_107 = arith.index_cast %add3A_106 : i32 to index
      %get3A_108 = memref.load %arg1[%get3A_107] : memref<4224xi32, #tpu.memory_space<smem>>
      %min3A = arith.constant 4095 : i32
      %min3A_109 = arith.minsi %get3A_108, %min3A : i32
      %dma_wait3A = tpu.memref_slice %arg10[%rem3A_98] : memref<12x!tpu.dma_semaphore, #tpu.memory_space<semaphore_mem>> -> memref<1x!tpu.dma_semaphore, #tpu.memory_space<semaphore_mem>>
      %dma_wait3A_110 = tpu.memref_squeeze %dma_wait3A : memref<1x!tpu.dma_semaphore, #tpu.memory_space<semaphore_mem>> -> memref<!tpu.dma_semaphore, #tpu.memory_space<semaphore_mem>>
      %dma_wait3A_111 = arith.constant 0 : i32
      %dma_wait3A_112 = arith.constant 0 : i32
      %dma_wait3A_113 = tpu.memref_slice %arg9[%rem3A_98, %dma_wait3A_111, %dma_wait3A_112] : memref<12x64x128xf32, #tpu.memory_space<vmem>> -> memref<1x64x128xf32, #tpu.memory_space<vmem>>
      %dma_wait3A_114 = tpu.memref_squeeze %dma_wait3A_113 : memref<1x64x128xf32, #tpu.memory_space<vmem>> -> memref<64x128xf32, #tpu.memory_space<vmem>>
      %dma_wait3A_115 = arith.constant 0 : i32
      %dma_wait3A_116 = arith.constant 0 : i32
      %dma_wait3A_117 = tpu.memref_slice %arg6[%min3A_109, %dma_wait3A_115, %dma_wait3A_116] : memref<4096x64x128xf32, #tpu.memory_space<any>> -> memref<1x64x128xf32, #tpu.memory_space<any>>
      %dma_wait3A_118 = tpu.memref_squeeze %dma_wait3A_117 : memref<1x64x128xf32, #tpu.memory_space<any>> -> memref<64x128xf32, #tpu.memory_space<any>>
      tpu.wait_dma2 semaphore(%dma_wait3A_110 : memref<!tpu.dma_semaphore, #tpu.memory_space<semaphore_mem>>) src(%dma_wait3A_118 : memref<64x128xf32, #tpu.memory_space<any>>) dst(%dma_wait3A_114 : memref<64x128xf32, #tpu.memory_space<vmem>>)
      %get3A_119 = arith.constant 0 : i32
      %get3A_120 = arith.constant 0 : i32
      %get3A_121 = tpu.memref_slice %arg9[%rem3A_98, %get3A_119, %get3A_120] : memref<12x64x128xf32, #tpu.memory_space<vmem>> -> memref<1x64x128xf32, #tpu.memory_space<vmem>>
      %get3A_122 = tpu.memref_squeeze %get3A_121 : memref<1x64x128xf32, #tpu.memory_space<vmem>> -> memref<64x128xf32, #tpu.memory_space<vmem>>
      %get3A_123 = arith.constant 0 : index
      %get3A_124 = arith.constant 0 : index
      %get3A_125 = vector.load %get3A_122[%get3A_123, %get3A_124] : memref<64x128xf32, #tpu.memory_space<vmem>>, vector<63x32xf32>
      %dot_general3A = arith.constant dense<0.000000e+00> : vector<256x32xf32>
      %dot_general3A_126 = tpu.matmul %get3A_60, %get3A_125, %dot_general3A {dimension_numbers = #tpu.dot_dimension_numbers<[1], [0], [0], [1], [0, 0, 1, 1], [], []>, transpose_lhs_hint = false} : vector<256x63xf32>, vector<63x32xf32>, vector<256x32xf32> -> vector<256x32xf32>
      %get3A_127 = arith.constant 0 : i32
      %get3A_128 = arith.constant 0 : i32
      %get3A_129 = tpu.memref_slice %arg9[%rem3A_98, %get3A_127, %get3A_128] : memref<12x64x128xf32, #tpu.memory_space<vmem>> -> memref<1x64x128xf32, #tpu.memory_space<vmem>>
      %get3A_130 = tpu.memref_squeeze %get3A_129 : memref<1x64x128xf32, #tpu.memory_space<vmem>> -> memref<64x128xf32, #tpu.memory_space<vmem>>
      %get3A_131 = arith.constant 63 : index
      %get3A_132 = arith.constant 0 : index
      %get3A_133 = vector.load %get3A_130[%get3A_131, %get3A_132] : memref<64x128xf32, #tpu.memory_space<vmem>>, vector<1x32xf32>
      %add3A_134 = vector.broadcast %get3A_133 : vector<1x32xf32> to vector<256x32xf32>
      %add3A_135 = arith.addf %dot_general3A_126, %add3A_134 : vector<256x32xf32>
      %max3A = arith.constant 0.000000e+00 : f32
      %max3A_136 = vector.broadcast %max3A : f32 to vector<256x32xf32>
      %max3A_137 = arith.maximumf %add3A_135, %max3A_136 : vector<256x32xf32>
      %get3A_138 = arith.constant 0 : i32
      %get3A_139 = arith.constant 0 : i32
      %get3A_140 = tpu.memref_slice %arg9[%rem3A_98, %get3A_138, %get3A_139] : memref<12x64x128xf32, #tpu.memory_space<vmem>> -> memref<1x64x128xf32, #tpu.memory_space<vmem>>
      %get3A_141 = tpu.memref_squeeze %get3A_140 : memref<1x64x128xf32, #tpu.memory_space<vmem>> -> memref<64x128xf32, #tpu.memory_space<vmem>>
      %get3A_142 = arith.constant 0 : index
      %get3A_143 = arith.constant 64 : index
      %get3A_144 = vector.load %get3A_141[%get3A_142, %get3A_143] : memref<64x128xf32, #tpu.memory_space<vmem>>, vector<32x32xf32>
      %dot_general3A_145 = arith.constant dense<0.000000e+00> : vector<256x32xf32>
      %dot_general3A_146 = tpu.matmul %max3A_137, %get3A_144, %dot_general3A_145 {dimension_numbers = #tpu.dot_dimension_numbers<[1], [0], [0], [1], [0, 0, 1, 1], [], []>, transpose_lhs_hint = false} : vector<256x32xf32>, vector<32x32xf32>, vector<256x32xf32> -> vector<256x32xf32>
      %get3A_147 = arith.constant 0 : i32
      %get3A_148 = arith.constant 0 : i32
      %get3A_149 = tpu.memref_slice %arg9[%rem3A_98, %get3A_147, %get3A_148] : memref<12x64x128xf32, #tpu.memory_space<vmem>> -> memref<1x64x128xf32, #tpu.memory_space<vmem>>
      %get3A_150 = tpu.memref_squeeze %get3A_149 : memref<1x64x128xf32, #tpu.memory_space<vmem>> -> memref<64x128xf32, #tpu.memory_space<vmem>>
      %get3A_151 = arith.constant 59 : index
      %get3A_152 = arith.constant 96 : index
      %get3A_153 = vector.load %get3A_150[%get3A_151, %get3A_152] : memref<64x128xf32, #tpu.memory_space<vmem>>, vector<1x32xf32>
      %add3A_154 = vector.broadcast %get3A_153 : vector<1x32xf32> to vector<256x32xf32>
      %add3A_155 = arith.addf %dot_general3A_146, %add3A_154 : vector<256x32xf32>
      %max3A_156 = arith.constant 0.000000e+00 : f32
      %max3A_157 = vector.broadcast %max3A_156 : f32 to vector<256x32xf32>
      %max3A_158 = arith.maximumf %add3A_155, %max3A_157 : vector<256x32xf32>
      %get3A_159 = arith.constant 0 : i32
      %get3A_160 = arith.constant 0 : i32
      %get3A_161 = tpu.memref_slice %arg9[%rem3A_98, %get3A_159, %get3A_160] : memref<12x64x128xf32, #tpu.memory_space<vmem>> -> memref<1x64x128xf32, #tpu.memory_space<vmem>>
      %get3A_162 = tpu.memref_squeeze %get3A_161 : memref<1x64x128xf32, #tpu.memory_space<vmem>> -> memref<64x128xf32, #tpu.memory_space<vmem>>
      %get3A_163 = arith.constant 27 : index
      %get3A_164 = arith.constant 96 : index
      %get3A_165 = vector.load %get3A_162[%get3A_163, %get3A_164] : memref<64x128xf32, #tpu.memory_space<vmem>>, vector<32x1xf32>
      %dot_general3A_166 = arith.constant dense<0.000000e+00> : vector<256x1xf32>
      %dot_general3A_167 = tpu.matmul %max3A_137, %get3A_165, %dot_general3A_166 {dimension_numbers = #tpu.dot_dimension_numbers<[1], [0], [0], [1], [0, 0, 1, 1], [], []>, transpose_lhs_hint = false} : vector<256x32xf32>, vector<32x1xf32>, vector<256x1xf32> -> vector<256x1xf32>
      %get3A_168 = arith.constant 0 : i32
      %get3A_169 = arith.constant 0 : i32
      %get3A_170 = tpu.memref_slice %arg9[%rem3A_98, %get3A_168, %get3A_169] : memref<12x64x128xf32, #tpu.memory_space<vmem>> -> memref<1x64x128xf32, #tpu.memory_space<vmem>>
      %get3A_171 = tpu.memref_squeeze %get3A_170 : memref<1x64x128xf32, #tpu.memory_space<vmem>> -> memref<64x128xf32, #tpu.memory_space<vmem>>
      %get3A_172 = arith.constant 60 : index
      %get3A_173 = arith.constant 96 : index
      %get3A_174 = vector.load %get3A_171[%get3A_172, %get3A_173] : memref<64x128xf32, #tpu.memory_space<vmem>>, vector<1x1xf32>
      %add3A_175 = vector.broadcast %get3A_174 : vector<1x1xf32> to vector<256x1xf32>
      %add3A_176 = arith.addf %dot_general3A_167, %add3A_175 : vector<256x1xf32>
      %max3A_177 = arith.constant 0.000000e+00 : f32
      %max3A_178 = vector.broadcast %max3A_177 : f32 to vector<256x1xf32>
      %max3A_179 = arith.maximumf %add3A_176, %max3A_178 : vector<256x1xf32>
      %get3A_180 = arith.constant 0 : i32
      %get3A_181 = arith.constant 0 : i32
      %get3A_182 = tpu.memref_slice %arg9[%rem3A_98, %get3A_180, %get3A_181] : memref<12x64x128xf32, #tpu.memory_space<vmem>> -> memref<1x64x128xf32, #tpu.memory_space<vmem>>
      %get3A_183 = tpu.memref_squeeze %get3A_182 : memref<1x64x128xf32, #tpu.memory_space<vmem>> -> memref<64x128xf32, #tpu.memory_space<vmem>>
      %get3A_184 = arith.constant 0 : index
      %get3A_185 = arith.constant 32 : index
      %get3A_186 = vector.load %get3A_183[%get3A_184, %get3A_185] : memref<64x128xf32, #tpu.memory_space<vmem>>, vector<32x32xf32>
      %dot_general3A_187 = arith.constant dense<0.000000e+00> : vector<256x32xf32>
      %dot_general3A_188 = tpu.matmul %max3A_158, %get3A_186, %dot_general3A_187 {dimension_numbers = #tpu.dot_dimension_numbers<[1], [0], [0], [1], [0, 0, 1, 1], [], []>, transpose_lhs_hint = false} : vector<256x32xf32>, vector<32x32xf32>, vector<256x32xf32> -> vector<256x32xf32>
      %get3A_189 = arith.constant 0 : i32
      %get3A_190 = arith.constant 0 : i32
      %get3A_191 = tpu.memref_slice %arg9[%rem3A_98, %get3A_189, %get3A_190] : memref<12x64x128xf32, #tpu.memory_space<vmem>> -> memref<1x64x128xf32, #tpu.memory_space<vmem>>
      %get3A_192 = tpu.memref_squeeze %get3A_191 : memref<1x64x128xf32, #tpu.memory_space<vmem>> -> memref<64x128xf32, #tpu.memory_space<vmem>>
      %get3A_193 = arith.constant 61 : index
      %get3A_194 = arith.constant 96 : index
      %get3A_195 = vector.load %get3A_192[%get3A_193, %get3A_194] : memref<64x128xf32, #tpu.memory_space<vmem>>, vector<1x32xf32>
      %add3A_196 = vector.broadcast %get3A_195 : vector<1x32xf32> to vector<256x32xf32>
      %add3A_197 = arith.addf %dot_general3A_188, %add3A_196 : vector<256x32xf32>
      %get3A_198 = arith.constant 0 : i32
      %get3A_199 = arith.constant 0 : i32
      %get3A_200 = tpu.memref_slice %arg9[%rem3A_98, %get3A_198, %get3A_199] : memref<12x64x128xf32, #tpu.memory_space<vmem>> -> memref<1x64x128xf32, #tpu.memory_space<vmem>>
      %get3A_201 = tpu.memref_squeeze %get3A_200 : memref<1x64x128xf32, #tpu.memory_space<vmem>> -> memref<64x128xf32, #tpu.memory_space<vmem>>
      %get3A_202 = arith.constant 32 : index
      %get3A_203 = arith.constant 32 : index
      %get3A_204 = vector.load %get3A_201[%get3A_202, %get3A_203] : memref<64x128xf32, #tpu.memory_space<vmem>>, vector<32x32xf32>
      %dot_general3A_205 = arith.constant dense<0.000000e+00> : vector<256x32xf32>
      %dot_general3A_206 = tpu.matmul %add3A_197, %get3A_204, %dot_general3A_205 {dimension_numbers = #tpu.dot_dimension_numbers<[1], [0], [0], [1], [0, 0, 1, 1], [], []>, transpose_lhs_hint = false} : vector<256x32xf32>, vector<32x32xf32>, vector<256x32xf32> -> vector<256x32xf32>
      %get3A_207 = arith.constant 0 : i32
      %get3A_208 = arith.constant 0 : i32
      %get3A_209 = tpu.memref_slice %arg9[%rem3A_98, %get3A_207, %get3A_208] : memref<12x64x128xf32, #tpu.memory_space<vmem>> -> memref<1x64x128xf32, #tpu.memory_space<vmem>>
      %get3A_210 = tpu.memref_squeeze %get3A_209 : memref<1x64x128xf32, #tpu.memory_space<vmem>> -> memref<64x128xf32, #tpu.memory_space<vmem>>
      %get3A_211 = arith.constant 0 : index
      %get3A_212 = arith.constant 96 : index
      %get3A_213 = vector.load %get3A_210[%get3A_211, %get3A_212] : memref<64x128xf32, #tpu.memory_space<vmem>>, vector<27x32xf32>
      %dot_general3A_214 = arith.constant dense<0.000000e+00> : vector<256x32xf32>
      %dot_general3A_215 = tpu.matmul %get3A_65, %get3A_213, %dot_general3A_214 {dimension_numbers = #tpu.dot_dimension_numbers<[1], [0], [0], [1], [0, 0, 1, 1], [], []>, transpose_lhs_hint = false} : vector<256x27xf32>, vector<27x32xf32>, vector<256x32xf32> -> vector<256x32xf32>
      %add3A_216 = arith.addf %dot_general3A_206, %dot_general3A_215 : vector<256x32xf32>
      %get3A_217 = arith.constant 0 : i32
      %get3A_218 = arith.constant 0 : i32
      %get3A_219 = tpu.memref_slice %arg9[%rem3A_98, %get3A_217, %get3A_218] : memref<12x64x128xf32, #tpu.memory_space<vmem>> -> memref<1x64x128xf32, #tpu.memory_space<vmem>>
      %get3A_220 = tpu.memref_squeeze %get3A_219 : memref<1x64x128xf32, #tpu.memory_space<vmem>> -> memref<64x128xf32, #tpu.memory_space<vmem>>
      %get3A_221 = arith.constant 62 : index
      %get3A_222 = arith.constant 96 : index
      %get3A_223 = vector.load %get3A_220[%get3A_221, %get3A_222] : memref<64x128xf32, #tpu.memory_space<vmem>>, vector<1x32xf32>
      %add3A_224 = vector.broadcast %get3A_223 : vector<1x32xf32> to vector<256x32xf32>
      %add3A_225 = arith.addf %add3A_216, %add3A_224 : vector<256x32xf32>
      %max3A_226 = arith.constant 0.000000e+00 : f32
      %max3A_227 = vector.broadcast %max3A_226 : f32 to vector<256x32xf32>
      %max3A_228 = arith.maximumf %add3A_225, %max3A_227 : vector<256x32xf32>
      %get3A_229 = arith.constant 0 : i32
      %get3A_230 = arith.constant 0 : i32
      %get3A_231 = tpu.memref_slice %arg9[%rem3A_98, %get3A_229, %get3A_230] : memref<12x64x128xf32, #tpu.memory_space<vmem>> -> memref<1x64x128xf32, #tpu.memory_space<vmem>>
      %get3A_232 = tpu.memref_squeeze %get3A_231 : memref<1x64x128xf32, #tpu.memory_space<vmem>> -> memref<64x128xf32, #tpu.memory_space<vmem>>
      %get3A_233 = arith.constant 32 : index
      %get3A_234 = arith.constant 64 : index
      %get3A_235 = vector.load %get3A_232[%get3A_233, %get3A_234] : memref<64x128xf32, #tpu.memory_space<vmem>>, vector<32x3xf32>
      %dot_general3A_236 = arith.constant dense<0.000000e+00> : vector<256x3xf32>
      %dot_general3A_237 = tpu.matmul %max3A_228, %get3A_235, %dot_general3A_236 {dimension_numbers = #tpu.dot_dimension_numbers<[1], [0], [0], [1], [0, 0, 1, 1], [], []>, transpose_lhs_hint = false} : vector<256x32xf32>, vector<32x3xf32>, vector<256x3xf32> -> vector<256x3xf32>
      %get3A_238 = arith.constant 0 : i32
      %get3A_239 = arith.constant 0 : i32
      %get3A_240 = tpu.memref_slice %arg9[%rem3A_98, %get3A_238, %get3A_239] : memref<12x64x128xf32, #tpu.memory_space<vmem>> -> memref<1x64x128xf32, #tpu.memory_space<vmem>>
      %get3A_241 = tpu.memref_squeeze %get3A_240 : memref<1x64x128xf32, #tpu.memory_space<vmem>> -> memref<64x128xf32, #tpu.memory_space<vmem>>
      %get3A_242 = arith.constant 63 : index
      %get3A_243 = arith.constant 96 : index
      %get3A_244 = vector.load %get3A_241[%get3A_242, %get3A_243] : memref<64x128xf32, #tpu.memory_space<vmem>>, vector<1x3xf32>
      %add3A_245 = vector.broadcast %get3A_244 : vector<1x3xf32> to vector<256x3xf32>
      %add3A_246 = arith.addf %dot_general3A_237, %add3A_245 : vector<256x3xf32>
      %logistic3A = arith.negf %add3A_246 : vector<256x3xf32>
      %logistic3A_247 = math.exp %logistic3A : vector<256x3xf32>
      %logistic3A_248 = arith.constant 1.000000e+00 : f32
      %logistic3A_249 = vector.broadcast %logistic3A_248 : f32 to vector<256x3xf32>
      %logistic3A_250 = arith.addf %logistic3A_249, %logistic3A_247 : vector<256x3xf32>
      %logistic3A_251 = arith.divf %logistic3A_249, %logistic3A_250 : vector<256x3xf32>
      %eq3A = vector.broadcast %get3A_108 : i32 to vector<256x1xi32>
      %eq3A_252 = arith.cmpi eq, %get3A_70, %eq3A : vector<256x1xi32>
      %lt3A_253 = arith.constant 4096 : i32
      %lt3A_254 = arith.cmpi slt, %get3A_108, %lt3A_253 : i32
      %and3A = vector.broadcast %lt3A_254 : i1 to vector<256x1xi1>
      %and3A_255 = arith.andi %eq3A_252, %and3A : vector<256x1xi1>
      %broadcast_in_dim3A_256 = vector.shape_cast %and3A_255 : vector<256x1xi1> to vector<256x1xi1>
      %broadcast_in_dim3A_257 = vector.broadcast %broadcast_in_dim3A_256 : vector<256x1xi1> to vector<256x3xi1>
      %select_n3A = arith.select %broadcast_in_dim3A_257, %logistic3A_251, %while3A_96 : vector<256x3xi1>, vector<256x3xf32>
      %select_n3A_258 = arith.select %and3A_255, %max3A_179, %while3A_97 : vector<256x1xi1>, vector<256x1xf32>
      scf.yield %select_n3A, %select_n3A_258 : vector<256x3xf32>, vector<256x1xf32>
    }
    %swap3A = arith.constant 0 : index
    %swap3A_84 = arith.constant 0 : index
    %swap3A_85 = arith.constant 0 : index
    %swap3A_86 = vector.load %arg7[%swap3A, %swap3A_84, %swap3A_85] : memref<1x256x3xf32, #tpu.memory_space<vmem>>, vector<1x256x3xf32>
    %swap3A_87 = vector.shape_cast %swap3A_86 : vector<1x256x3xf32> to vector<256x3xf32>
    %swap3A_88 = vector.shape_cast %while3A_83#0 : vector<256x3xf32> to vector<1x256x3xf32>
    tpu.vector_store %arg7[%swap3A, %swap3A_84, %swap3A_85], %swap3A_88 {strides = array<i32>} : memref<1x256x3xf32, #tpu.memory_space<vmem>>, vector<1x256x3xf32>,
    %swap3A_89 = arith.constant 0 : index
    %swap3A_90 = arith.constant 0 : index
    %swap3A_91 = arith.constant 0 : index
    %swap3A_92 = vector.load %arg8[%swap3A_89, %swap3A_90, %swap3A_91] : memref<1x256x1xf32, #tpu.memory_space<vmem>>, vector<1x256x1xf32>
    %swap3A_93 = vector.shape_cast %swap3A_92 : vector<1x256x1xf32> to vector<256x1xf32>
    %swap3A_94 = vector.shape_cast %while3A_83#1 : vector<256x1xf32> to vector<1x256x1xf32>
    tpu.vector_store %arg8[%swap3A_89, %swap3A_90, %swap3A_91], %swap3A_94 {strides = array<i32>} : memref<1x256x1xf32, #tpu.memory_space<vmem>>, vector<1x256x1xf32>,
    return
  }
  func.func @transform_0(%arg0: i32, %arg1: memref<4224xi32, #tpu.memory_space<smem>>, %arg2: memref<129xi32, #tpu.memory_space<smem>>) -> (i32, i32, i32) {
    %c0_i32 = arith.constant 0 : i32
    %c0_i32_0 = arith.constant 0 : i32
    %c0_i32_1 = arith.constant 0 : i32
    return %arg0, %c0_i32, %c0_i32_0 : i32, i32, i32
  }
  func.func @transform_1(%arg0: i32, %arg1: memref<4224xi32, #tpu.memory_space<smem>>, %arg2: memref<129xi32, #tpu.memory_space<smem>>) -> (i32, i32, i32) {
    %c0_i32 = arith.constant 0 : i32
    %c0_i32_0 = arith.constant 0 : i32
    %c0_i32_1 = arith.constant 0 : i32
    return %arg0, %c0_i32, %c0_i32_0 : i32, i32, i32
  }
  func.func @transform_2(%arg0: i32, %arg1: memref<4224xi32, #tpu.memory_space<smem>>, %arg2: memref<129xi32, #tpu.memory_space<smem>>) -> (i32, i32, i32) {
    %c0_i32 = arith.constant 0 : i32
    %c0_i32_0 = arith.constant 0 : i32
    %c0_i32_1 = arith.constant 0 : i32
    return %arg0, %c0_i32, %c0_i32_0 : i32, i32, i32
  }
  func.func @transform_4(%arg0: i32, %arg1: memref<4224xi32, #tpu.memory_space<smem>>, %arg2: memref<129xi32, #tpu.memory_space<smem>>) -> (i32, i32, i32) {
    %c0_i32 = arith.constant 0 : i32
    %c0_i32_0 = arith.constant 0 : i32
    %c0_i32_1 = arith.constant 0 : i32
    return %arg0, %c0_i32, %c0_i32_0 : i32, i32, i32
  }
  func.func @transform_5(%arg0: i32, %arg1: memref<4224xi32, #tpu.memory_space<smem>>, %arg2: memref<129xi32, #tpu.memory_space<smem>>) -> (i32, i32, i32) {
    %c0_i32 = arith.constant 0 : i32
    %c0_i32_0 = arith.constant 0 : i32
    %c0_i32_1 = arith.constant 0 : i32
    return %arg0, %c0_i32, %c0_i32_0 : i32, i32, i32
  }
}

</mosaic_0001>

<sc_bundles>
// kernel: gather_offload_async_start.1
scs
__scs_entry_jumppad:
0x0: {  	(pc) =	sbr.rel $0x88, $3  }
0x1: {  	(tag) =	ssettag $0x0;
	lr =	simm.s32 $0x1  }
0x2: {  	[smem:$0x3F95] =	sst lr;
	_ =	strace $0xD0000000  }
0x3: {  	_ = 	snop  }
0x4: {  	_ = 	snop  }
0x5: {  	_ = 	snop  }
0x6: {  	_ = 	snop  }
0x7: {  	_ = 	snop  }
__scs_overlays_trampoline_lowered:
0x8: {  	[smem:$0x3FA4] =	sst s0  }
0x9: {  	[smem:$0x3FA5] =	sst s1  }
0xa: {  	[smem:$0x3FA6] =	sst s2  }
0xb: {  	[smem:$0x3FA7] =	sst s3  }
0xc: {  	[smem:$0x3FA8] =	sst s4  }
0xd: {  	[smem:$0x3FA9] =	sst s5  }
0xe: {  	[smem:$0x3FAA] =	sst s6  }
0xf: {  	[smem:$0x3FAB] =	sst s7  }
0x10: {  	[smem:$0x3FAC] =	sst s8  }
0x11: {  	[smem:$0x3FAD] =	sst s9;
	s0 =	simm.s32 @!p0 $0x0  }
0x12: {  	s1 =	sld [smem:$0x3F93];
	s0 =	simm.s32 @p0 $0x1  }
0x13: {  	[smem:$0x3FAE] =	sst s0;
	s0 =	simm.s32 @!p1 $0x0  }
0x14: {  	s2 =	sld [smem:$0x3F92];
	s0 =	simm.s32 @p1 $0x1  }
0x15: {  	[smem:$0x3FAF] =	sst s0;
	s0 =	simm.s32 @!p2 $0x0  }
0x16: {  	s3 =	sld [smem:$0x3FDB];
	s0 =	simm.s32 @p2 $0x1  }
0x17: {  	s4 =	simm.s32 $0x1BF5;
	[smem:$0x3FB1] =	sst s0  }
0x18: {  	s0 =	sld [smem:$0x3F94];
	_ =	swait.ge [sflag:s4], $0x0  }
0x19: {  	s7 =	sld [smem:$0x3F95]  }
0x1a: {  	s8 =	sadd.s32 $0xFFFFE003, lr  }
0x1b: {  	s9 =	sadd.s32 $0xFFFFFEF7, lr;
	s5 =	simm.s32 $0xFFFFFFFF;
	p2 =	slt.u32 s8, $0xFFFFF086  }
0x1c: {  	p1 =	slt.u32 s9, $0xF7A;
	s5 =	simm.s32 @!p2 $0x0  }
0x1d: {  	s5 =	simm.s32 @p1 $0x1;
	p0 =	seq.s32 s7, s2  }
0x1e: {  	s7 =	smul.u32 @!p0 $0xF7A, s2;
	p2 =	seq.s32 @!p0 s5, $0x0  }
0x1f: {  	s9 =	smul.u32 $0xF7A, s1;
	s8 =	simm.s32 @!p0 $0x1BF5;
	p2 =	por !p2, p0  }
0x20: {  	[sflag:s8] =	ssyncset.s32 @!p0 $0xFFFFF086;
	s6 =	sadd.s32 @!p0 s3, s7;
	s7 =	simm.s32 @!p0 $0x108  }
0x21: {  	s3 =	sadd.s32 s3, s9;
	s6 =	sadd.s32 @!p0 $0x88, s6;
	s7 =	simm.s32 @p2 $0x1082  }
0x22: {  	[simem:s7], [sflag:s8] =	dma.local @!p0 [hbm:s6], $0xF7A  }
0x23: {  	s9 =	sor.u32 $0xD0000000, s2;
	s6 =	simm.s32 $0x108;
	_ =	swait.ge @!p0 [sflag:s8], $0x0  }
0x24: {  	s3 =	sadd.s32 $0x88, s3;
	s6 =	simm.s32 @!p1 $0x1082;
	[sflag:s4] =	ssyncset.s32 $0xFFFFF086  }
0x25: {  	[simem:s6], [sflag:s4] =	dma.local [hbm:s3], $0xF7A  }
0x26: {  	[smem:$0x3F95] =	sst s1;
	(tag) =	ssettag s2;
	_ =	strace s9  }
0x27: {  	s1 =	sld [smem:$0x3FA5]  }
0x28: {  	s2 =	sld [smem:$0x3FA6]  }
0x29: {  	s4 =	sld [smem:$0x3FA8]  }
0x2a: {  	p0 =	seq.s32 s5, $0x0;
	s5 =	sld [smem:$0x3FA9]  }
0x2b: {  	s6 =	sld [smem:$0x3FAA]  }
0x2c: {  	s7 =	sld [smem:$0x3FAB]  }
0x2d: {  	s3 =	simm.s32 $0x108;
	s8 =	sld [smem:$0x3FAC]  }
0x2e: {  	s3 =	simm.s32 @!p0 $0x1082;
	s9 =	sld [smem:$0x3FAD]  }
0x2f: {  	lr =	sadd.s32 s0, s3;
	s0 =	sld [smem:$0x3FA4]  }
0x30: {  	s3 =	sld [smem:$0x3FA7]  }
0x31: {  	[smem:$0x3FB0] =	sst s10  }
0x32: {  	s10 =	sld [smem:$0x3FAE];
	_ =	sdelay $0x3  }
0x33: {  	p0 =	seq.s32 s10, $0x1;
	s10 =	sld [smem:$0x3FB0];
	_ =	sdelay $0x3  }
0x34: {  	[smem:$0x3FB0] =	sst s10  }
0x35: {  	s10 =	sld [smem:$0x3FAF];
	_ =	sdelay $0x3  }
0x36: {  	p1 =	seq.s32 s10, $0x1;
	s10 =	sld [smem:$0x3FB0];
	_ =	sdelay $0x3  }
0x37: {  	[smem:$0x3FB0] =	sst s10  }
0x38: {  	s10 =	sld [smem:$0x3FB1]  }
0x39: {  	_ = 	snop;
	(pc) =	sbr.ind lr, $3  }
0x3a: {  	_ = 	snop  }
0x3b: {  	_ = 	snop  }
0x3c: {  	p2 =	seq.s32 s10, $0x1;
	s10 =	sld [smem:$0x3FB0]  }
0x3d: {  	_ =	shalt  }
0x3e: {  	_ =	shalt  }
0x3f: {  	_ =	shalt  }
0x40: {  	_ =	shalt  }
0x41: {  	_ =	shalt  }
0x42: {  	_ =	shalt  }
0x43: {  	_ =	shalt  }
0x44: {  	_ =	shalt  }
0x45: {  	_ =	shalt  }
0x46: {  	_ =	shalt  }
0x47: {  	_ =	shalt  }
0x48: {  	_ =	shalt  }
0x49: {  	_ =	shalt  }
0x4a: {  	_ =	shalt  }
0x4b: {  	_ =	shalt  }
0x4c: {  	_ =	shalt  }
0x4d: {  	_ =	shalt  }
0x4e: {  	_ =	shalt  }
0x4f: {  	_ =	shalt  }
0x50: {  	_ =	shalt  }
0x51: {  	_ =	shalt  }
0x52: {  	_ =	shalt  }
0x53: {  	_ =	shalt  }
0x54: {  	_ =	shalt  }
0x55: {  	_ =	shalt  }
0x56: {  	_ =	shalt  }
0x57: {  	_ =	shalt  }
0x58: {  	_ =	shalt  }
0x59: {  	_ =	shalt  }
0x5a: {  	_ =	shalt  }
0x5b: {  	_ =	shalt  }
0x5c: {  	_ =	shalt  }
0x5d: {  	_ =	shalt  }
0x5e: {  	_ =	shalt  }
0x5f: {  	_ =	shalt  }
0x60: {  	_ =	shalt  }
0x61: {  	_ =	shalt  }
0x62: {  	_ =	shalt  }
0x63: {  	_ =	shalt  }
0x64: {  	_ =	shalt  }
0x65: {  	_ =	shalt  }
0x66: {  	_ =	shalt  }
0x67: {  	_ =	shalt  }
0x68: {  	_ =	shalt  }
0x69: {  	_ =	shalt  }
0x6a: {  	_ =	shalt  }
0x6b: {  	_ =	shalt  }
0x6c: {  	_ =	shalt  }
0x6d: {  	_ =	shalt  }
0x6e: {  	_ =	shalt  }
0x6f: {  	_ =	shalt  }
0x70: {  	_ =	shalt  }
0x71: {  	_ =	shalt  }
0x72: {  	_ =	shalt  }
0x73: {  	_ =	shalt  }
0x74: {  	_ =	shalt  }
0x75: {  	_ =	shalt  }
0x76: {  	_ =	shalt  }
0x77: {  	_ =	shalt  }
0x78: {  	_ =	shalt  }
0x79: {  	_ =	shalt  }
0x7a: {  	_ =	shalt  }
0x7b: {  	_ =	shalt  }
0x7c: {  	_ =	shalt  }
0x7d: {  	_ =	shalt  }
0x7e: {  	_ =	shalt  }
0x7f: {  	_ =	shalt  }
0x80: {  	_ =	shalt  }
0x81: {  	_ =	shalt  }
0x82: {  	_ =	shalt  }
0x83: {  	_ =	shalt  }
0x84: {  	_ =	shalt  }
0x85: {  	_ =	shalt  }
0x86: {  	_ =	shalt  }
0x87: {  	_ =	shalt  }
.Lfunc_end0:
.L_simem_size_0:
called_computation.2_lowered:
.L_overlay_start_0:
0x88: {  	s2 =	sld [smem:$0x3FD9]  }
0x89: {  	s3 =	sld [smem:$0x3FFE];
	_ =	sdelay $0x1  }
0x8a: {  	s1 =	srdreg.scid  }
0x8b: {  	s0 =	sand.u32 $0x1, s1  }
0x8c: {  	s14 =	sshll.u32 s0, $0xA;
	s2 =	sadd.s32 s3, s2  }
0x8d: {  	s2 =	sadd.s32 s2, s14  }
0x8e: {  	[smem:$0x3FBC] =	sst s2  }
0x8f: {  	_ = 	snop  }
0x90: {  	s2 =	sld [smem:$0x3FD0];
	_ =	sdelay $0x2  }
0x91: {  	s15 =	simm.s32 $0xB;
	s4 =	simm.s32 $0x10  }
0x92: {  	[smem:s4], [sflag:s15] =	dma.local [hbm:s2], $0x1  }
0x93: {  	_ =	swait.eq [sflag:s15], $0x1  }
0x94: {  	[sflag:s15] =	ssyncset.done $0x0  }
0x95: {  	[sflag:s15] =	ssyncadd.s32 $0xFFFFFFFF  }
0x96: {  	s16 =	sld [smem:$0x11];
	(tm) =	ssettm $0x1  }
0x97: {  	s17 =	sld [smem:$0x3FFB];
	_ =	sdelay $0x3  }
0x98: {  	_ =	strace s17  }
0x99: {  	s3 =	sld [smem:$0x3FFC];
	_ =	sdelay $0x3  }
0x9a: {  	_ =	strace s3  }
0x9b: {  	s3 =	sld [smem:$0x3FFD];
	_ =	sdelay $0x3  }
0x9c: {  	_ =	strace s3  }
0x9d: {  	_ =	strace $0x8FFFFFFF  }
0x9e: {  	s18 =	sld [smem:$0x3FDB];
	_ =	sdelay $0x1  }
0x9f: {  	s19 =	simm.s32 $_scs_section_size  }
0xa0: {  	s5 =	simm.s32 $_size__tile_overlayer_lowered;
	s6 =	simm.s32 $_tile_overlayer_lowered  }
0xa1: {  	s22 =	simm.s32 $0x1BFF;
	s21 =	sshll.u32 s6, $0x1;
	s3 =	sadd.s32 s19, s18  }
0xa2: {  	s7 =	simm.s32 $0x0;
	s20 =	sshll.u32 s5, $0x1;
	s5 =	sadd.s32 s21, s3  }
0xa3: {  	[timem:s7], [sflag:s22] =	dma.local [hbm:s5], s20  }
0xa4: {  	_ =	swait.ge [sflag:s22], s20  }
0xa5: {  	s4 =	ssub.s32 $0x0, s20;
	[sflag:s22] =	ssyncset.done $0x0  }
0xa6: {  	[sflag:s22] =	ssyncadd.s32 s4;
	_ =	sdelay $0x1  }
0xa7: {  	s23 =	simm.s32 $0x1B8B  }
0xa8: {  	_ =	swait.ge [sflag:s23], $0x1  }
0xa9: {  	[sflag:s23] =	ssyncset.done $0x0  }
0xaa: {  	s25 =	simm.s32 $0x1B8E;
	s24 =	sld [smem:$0x3FFE];
	[sflag:s23] =	ssyncadd.s32 $0xFFFFFFFF  }
0xab: {  	s26 =	simm.s32 $execute0_lowered;
	[smem:$0x3FD2] =	sst s25  }
0xac: {  	s5 =	sshll.u32 s26, $0x1;
	_ =	strace $0x8000004C;
	[dreg:$0x1] =	wrdreg $0xFFFFFFFF  }
0xad: {  	s28 =	simm.s32 $_size_execute0_lowered;
	s3 =	sadd.s32 s3, s5;
	[dreg:$0x0] =	wrdreg $0x0  }
0xae: {  	s5 =	sshll.u32 s28, $0x1;
	[dreg:$0x2] =	wrdreg s3  }
0xaf: {  	[dreg:$0x3] =	wrdreg s5  }
0xb0: {  	[dreg:$0x4] =	wrdreg $0xC0  }
0xb1: {  	_ =	task [dreg:s7], $0x5FFFF  }
0xb2: {  	[dreg:$0x1] =	wrdreg $0xFFFFFFFF  }
0xb3: {  	[dreg:$0x0] =	wrdreg $0x60  }
0xb4: {  	[dreg:$0x2] =	wrdreg s24  }
0xb5: {  	[dreg:$0x3] =	wrdreg s16  }
0xb6: {  	[dreg:$0x4] =	wrdreg $0x9  }
0xb7: {  	_ =	task.clear_ibuf [dreg:s7], $0x5FFFF;
	_ =	strace $0x9000004C  }
0xb8: {  	s29 =	simm.s32 $0x9;
	_ =	strace $0x8000004E  }
0xb9: {  	_ =	swait.ge [sflag:s29], $0x1  }
0xba: {  	[sflag:s29] =	ssyncadd.s32 $0xFFFFFFFF  }
0xbb: {  	_ =	strace $0x9000004E  }
0xbc: {  	_ =	sfence  }
0xbd: {  	s30 =	sld [smem:$0x0];
	_ =	sdelay $0x2  }
0xbe: {  	s31 =	sshll.u32 s1, $0xD;
	s1 =	sshrl.u32 s1, $0x2  }
0xbf: {  	s3 =	sand.u32 $0x4000, s31;
	s1 =	sadd.s32 s1, s30  }
0xc0: {  	s0 =	sor.u32 s3, s0;
	s1 =	sshll.u32 s1, $0x11  }
0xc1: {  	s0 =	sor.u32 s1, s0  }
0xc2: {  	s0 =	sadd.s32 $0x8F2B, s0  }
0xc3: {  	[sflag:s0] =	ssyncadd.remote.s32 $0x1  }
0xc4: {  	_ =	sfence.sel $0xFFFF  }
0xc5: {  	[dreg:$0x0] =	wrdreg $0xFFFFFFFF;
	(pc) =	sbr.abs _section_cstart, $3  }
0xc6: {  	[dreg:$0x1] =	wrdreg $0xFFFFFFFF  }
0xc7: {  	_ =	task.clear_ibuf [dreg:s7], $0x2FFFF;
	_ =	strace $0x9FFFFFFF  }
0xc8: {  	(tm) =	ssettm $0x7FFFFFFF  }
0xc9: {  	_ =	shalt  }
tec
execute0_lowered:
.L_overlay_start_1:
0x0: {  	(tag) =	ssettag $0x1  }
0x1: {  	s7 =	rddreg [dreg:$0x0]  }
0x2: {  	s2 =	rddreg [dreg:$0x1]  }
0x3: {  	s0 =	rddreg [dreg:$0x2]  }
0x4: {  	s1 =	srdreg.scid;
	_ =	strace $0x8000004D;
	s4 =	simm.s32 $0x1  }
0x5: {  	s9 =	simm.s32 $0x3;
	s11 =	simm.s32 $0x0;
	s5 =	sshll.u32 s1, $0x4  }
.Ltmp0:
0x6: {  	s1 =	stileid.u32;
	s5 =	sand.u32 $0x10, s5;
	(pc) =	sbr.rel .LBB2_1-.Ltmp0, $4  }
0x7: {  	p0 =	por $0x0, $0x0;
	s3 =	sadd.s32 $0x600, s7;
	s6 =	sor.u32 s1, s5  }
0x8: {  	[sflag:s4] =	ssyncpa.u1 $0x0;
	s5 =	simm.s32 $0x2;
	s6 =	sshll.u32 s6, $0xA  }
0x9: {  	s7 =	sadd.s32 $0x182E00, s7;
	[sflag:s5] =	ssyncpa.u1 $0x0;
	s8 =	sadd.s32 $0x400, s6  }
0xa: {  	vm0 =	vmmov $0xff;
	vm1 =	vcmask $0x3F20;
	[sflag:s9] =	ssyncpa.u1 $0x0;
	s10 =	smov.u32 s6;
	s9 =	simm.s32 $0x0  }
.LBB2_7:
0xb: {  	p1 =	slt.u32 s9, $0x2;
	s11 =	sadd.s32 $0x100, s10  }
0xc: {  	s13 =	smov.u32 s6;
	s9 =	sadd.s32 $0x1, s9;
	p2 =	slt.s32 s11, s8  }
0xd: {  	s13 =	smov.u32 @p2 s11;
	p2 =	sne.s32 s9, $0x6  }
.Ltmp1:
0xe: {  	_ = 	snop;
	(pc) =	sbr.rel @!p2 .LBB2_8-.Ltmp1, $4  }
0xf: {  	s12 =	simm.s32 @!p1 $0x3  }
0x10: {  	_ =	swait.ge @!p1 [sflag:s12], $0x8000  }
0x11: {  	p0 =	por !p0, !p0;
	[sflag:s12] =	ssyncset.done @!p1 $0x0  }
0x12: {  	s11 =	smov.u32 s10;
	s10 =	smov.u32 s13;
	[sflag:s12] =	ssyncadd.s32 @!p1 $0xFFFF8000  }
.LBB2_1:
0x13: {  	p1 =	sgt.u32 s9, $0x3  }
0x14: {  	s12 =	sxor.u32 @!p1 $0xFFFFFFFF, s9  }
0x15: {  	s13 =	sshrl.u32 @!p1 s10, $0x3;
	s12 =	sshll.u32 @!p1 s12, $0x8  }
0x16: {  	s14 =	sand.u32 @!p1 $0x7, s10;
	s13 =	sadd.s32 @!p1 s2, s13;
	s12 =	sand.u32 @!p1 $0x100, s12  }
0x17: {  	[tilespmem:s12], [sflag:$0x2] =	stream.linear.gather @!p1 [hbm4b:s13+s14], $0x100, $0x38;
	[tilespmem:$0x10200] =	vst v63  }
0x18: {  	p1 =	seq.s32 s9, $0x0  }
0x19: {  	p2 =	seq.s32 @!p1 s9, $0x5  }
0x1a: {  	p1 =	por p1, p2  }
.Ltmp2:
0x1b: {  	_ = 	snop;
	(pc) =	sbr.rel @p1 .LBB2_7-.Ltmp2, $1  }
0x1c: {  	_ =	sdelay $0x3  }
0x1d: {  	s12 =	simm.s32 $0x1  }
0x1e: {  	_ =	swait.ge [sflag:s5], $0x100;
	s12 =	simm.s32 @!p0 $0x0  }
0x1f: {  	[sflag:s5] =	ssyncset.done $0x0;
	s14 =	sshll.u32 s12, $0x8  }
0x20: {  	[sflag:s5] =	ssyncadd.s32 $0xFFFFFF00;
	s13 =	sadd.s32 $0x0, s14  }
0x21: {  	v0 =	vld.msk [tilespmem:s13+$0x0 ss:$0x1], $0xffff;
	_ =	sdelay $0x4  }
0x22: {  	vm2 =	vgt.s32 v0, $0x0  }
0x23: {  	v0 =	vnsel vm2, $0x0, v0  }
0x24: {  	v0 =	vmin.u32 v0, $0x7FFF  }
0x25: {  	v0 =	vshll.u32 v0, $0x4;
	_ =	sdelay $0x2  }
0x26: {  	s12 =	sshll.u32 s12, $0xF  }
0x27: {  	s12 =	sor.u32 $0x200, s12  }
0x28: {  	[tilespmem:s12], [sflag:$0x1] =	stream.indirect_vreg.gather [hbm:s3], $0x80, v0, vm0, $0x38;
	[tilespmem:$0x10200] =	vst v63  }
0x29: {  	s15 =	sadd.s32 $0x10, s14;
	s13 =	sadd.s32 $0x400, s12  }
0x2a: {  	[tilespmem:s13], [sflag:$0x1] =	stream.indirect_vreg.gather [hbm:s3], $0x80, v0, vm1, $0x38;
	[tilespmem:$0x10200] =	vst v63  }
0x2b: {  	s16 =	simm.s32 $0x80;
	v0 =	vld.msk [tilespmem:s15+$0x0 ss:$0x1], $0xffff;
	s15 =	smov.u32 s12  }
.LBB2_3:
0x2c: {  	p1 =	sne.s32 s16, $0x3C0;
	_ =	sdelay $0x4  }
0x2d: {  	vm2 =	vgt.s32 v0, $0x0  }
0x2e: {  	v0 =	vnsel vm2, $0x0, v0  }
0x2f: {  	v0 =	vmin.u32 v0, $0x7FFF  }
0x30: {  	v0 =	vshll.u32 v0, $0x4;
	_ =	sdelay $0x3  }
.Ltmp3:
0x31: {  	s17 =	sshra.s32 s16, $0x2;
	s15 =	sadd.s32 $0x800, s15;
	(pc) =	sbr.rel @p1 .LBB2_3-.Ltmp3, $4  }
0x32: {  	[tilespmem:s15], [sflag:$0x1] =	stream.indirect_vreg.gather [hbm:s3], $0x80, v0, vm0, $0x38;
	[tilespmem:$0x10200] =	vst v63  }
0x33: {  	s17 =	sadd.s32 s17, s14;
	s18 =	sadd.s32 $0x400, s15  }
0x34: {  	[tilespmem:s18], [sflag:$0x1] =	stream.indirect_vreg.gather [hbm:s3], $0x80, v0, vm1, $0x38;
	[tilespmem:$0x10200] =	vst v63  }
0x35: {  	s16 =	sadd.s32 $0x40, s16;
	v0 =	vld.msk [tilespmem:s17+$0x0 ss:$0x1], $0xffff  }
0x36: {  	_ =	sdelay $0x3  }
0x37: {  	vm2 =	vgt.s32 v0, $0x0  }
0x38: {  	v0 =	vnsel vm2, $0x0, v0  }
0x39: {  	v0 =	vmin.u32 v0, $0x7FFF  }
0x3a: {  	v0 =	vshll.u32 v0, $0x4;
	_ =	sdelay $0x3  }
0x3b: {  	s14 =	sadd.s32 $0x800, s15  }
0x3c: {  	[tilespmem:s14], [sflag:$0x1] =	stream.indirect_vreg.gather [hbm:s3], $0x80, v0, vm0, $0x38;
	[tilespmem:$0x10200] =	vst v63  }
0x3d: {  	s14 =	sadd.s32 $0x400, s14  }
0x3e: {  	[tilespmem:s14], [sflag:$0x1] =	stream.indirect_vreg.gather [hbm:s3], $0x80, v0, vm1, $0x38;
	[tilespmem:$0x10200] =	vst v63  }
0x3f: {  	s11 =	sshll.u32 s11, $0x4;
	_ =	swait.ge [sflag:s4], $0x8000  }
0x40: {  	s11 =	sadd.s32 s11, s7;
	[sflag:s4] =	ssyncset.done $0x0  }
0x41: {  	s15 =	sadd.s32 $0x0, s11;
	s14 =	simm.s32 $0x80;
	[sflag:s4] =	ssyncadd.s32 $0xFFFF8000  }
.LBB2_5:
0x42: {  	[hbm:s15] =	stream.linear.scatter [tilespmem:s12], [sflag:$0x3], $0x400, $0x38;
	[tilespmem:$0x10200] =	vst v63  }
0x43: {  	s15 =	smov.u32 s14;
	s12 =	smov.u32 s13;
	p1 =	sne.s32 s14, $0xF80  }
.Ltmp4:
0x44: {  	s14 =	sadd.s32 $0x80, s14;
	(pc) =	sbr.rel @p1 .LBB2_5-.Ltmp4, $2  }
0x45: {  	_ =	sdelay $0x2  }
0x46: {  	s13 =	sadd.s32 $0x400, s13;
	s15 =	sadd.s32 s15, s11  }
.Ltmp5:
0x47: {  	(pc) =	sbr.rel .LBB2_7-.Ltmp5, $2  }
0x48: {  	_ =	sdelay $0x2  }
0x49: {  	[hbm:s15] =	stream.linear.scatter [tilespmem:s12], [sflag:$0x3], $0x400, $0x38;
	[tilespmem:$0x10200] =	vst v63  }
.LBB2_8:
0x4a: {  	_ =	sfence.sel $0x180000  }
0x4b: {  	s2 =	simm.s32 $0x2;
	[bflag:$0x0] =	sbarrier.arrive $0xFFFF  }
0x4c: {  	s30 =	simm.s32 $0x3;
	[sflag:s2] =	ssyncpa.u1 $0x1  }
0x4d: {  	s31 =	simm.s32 $0x1;
	[sflag:s30] =	ssyncpa.u1 $0x1  }
0x4e: {  	[sflag:s31] =	ssyncpa.u1 $0x1  }
0x4f: {  	p0 =	sne.s32 s1, $0x0;
	_ =	strace $0x9000004D  }
0x50: {  	s0 =	sadd.s32 @!p0 $0x100000, s0;
	[bflag:$0x2] =	sbarrier.arrive $0xFFFF  }
0x51: {  	[sflag:s0] =	ssyncadd.tile.s32 @!p0 $0x1;
	_ =	shalt  }
.Lfunc_end2:
_tile_overlayer_lowered:
.L_overlay_start_2:
0x52: {  	(tag) =	ssettag $0x2  }
0x53: {  	s0 =	rddreg [dreg:$0x0];
	s2 =	stileid.u32  }
0x54: {  	s1 =	rddreg [dreg:$0x1];
	p0 =	sne.s32 s2, $0x0  }
0x55: {  	s3 =	rddreg [dreg:$0x2];
	[bflag:$0x3] =	sbarrier.arrive $0xFFFF;
	s2 =	simm.s32 @!p0 $0x1C01  }
0x56: {  	[timem:s3], [sflag:s2] =	dma.local @!p0 [hbm:s0], s1  }
0x57: {  	s0 =	simm.s32 @!p0 $0x1  }
0x58: {  	_ =	swait.ge @!p0 [sflag:s0], s1  }
0x59: {  	s1 =	ssub.s32 @!p0 $0x0, s1;
	[sflag:s0] =	ssyncset.done @!p0 $0x0  }
0x5a: {  	[sflag:s0] =	ssyncadd.s32 @!p0 s1  }
0x5b: {  	[bflag:$0x3] =	sbarrier.arrive $0xFFFF  }
0x5c: {  	_ =	shalt  }

// kernel: gather_offload_async_start.2
scs
__scs_entry_jumppad:
0x0: {  	(pc) =	sbr.rel $0x88, $3  }
0x1: {  	(tag) =	ssettag $0x0;
	lr =	simm.s32 $0x1  }
0x2: {  	[smem:$0x3F95] =	sst lr;
	_ =	strace $0xD0000000  }
0x3: {  	_ = 	snop  }
0x4: {  	_ = 	snop  }
0x5: {  	_ = 	snop  }
0x6: {  	_ = 	snop  }
0x7: {  	_ = 	snop  }
__scs_overlays_trampoline_lowered:
0x8: {  	[smem:$0x3FA4] =	sst s0  }
0x9: {  	[smem:$0x3FA5] =	sst s1  }
0xa: {  	[smem:$0x3FA6] =	sst s2  }
0xb: {  	[smem:$0x3FA7] =	sst s3  }
0xc: {  	[smem:$0x3FA8] =	sst s4  }
0xd: {  	[smem:$0x3FA9] =	sst s5  }
0xe: {  	[smem:$0x3FAA] =	sst s6  }
0xf: {  	[smem:$0x3FAB] =	sst s7  }
0x10: {  	[smem:$0x3FAC] =	sst s8  }
0x11: {  	[smem:$0x3FAD] =	sst s9;
	s0 =	simm.s32 @!p0 $0x0  }
0x12: {  	s1 =	sld [smem:$0x3F93];
	s0 =	simm.s32 @p0 $0x1  }
0x13: {  	[smem:$0x3FAE] =	sst s0;
	s0 =	simm.s32 @!p1 $0x0  }
0x14: {  	s2 =	sld [smem:$0x3F92];
	s0 =	simm.s32 @p1 $0x1  }
0x15: {  	[smem:$0x3FAF] =	sst s0;
	s0 =	simm.s32 @!p2 $0x0  }
0x16: {  	s3 =	sld [smem:$0x3FDB];
	s0 =	simm.s32 @p2 $0x1  }
0x17: {  	s4 =	simm.s32 $0x1BF5;
	[smem:$0x3FB1] =	sst s0  }
0x18: {  	s0 =	sld [smem:$0x3F94];
	_ =	swait.ge [sflag:s4], $0x0  }
0x19: {  	s7 =	sld [smem:$0x3F95]  }
0x1a: {  	s8 =	sadd.s32 $0xFFFFE003, lr  }
0x1b: {  	s9 =	sadd.s32 $0xFFFFFEF7, lr;
	s5 =	simm.s32 $0xFFFFFFFF;
	p2 =	slt.u32 s8, $0xFFFFF086  }
0x1c: {  	p1 =	slt.u32 s9, $0xF7A;
	s5 =	simm.s32 @!p2 $0x0  }
0x1d: {  	s5 =	simm.s32 @p1 $0x1;
	p0 =	seq.s32 s7, s2  }
0x1e: {  	s7 =	smul.u32 @!p0 $0xF7A, s2;
	p2 =	seq.s32 @!p0 s5, $0x0  }
0x1f: {  	s9 =	smul.u32 $0xF7A, s1;
	s8 =	simm.s32 @!p0 $0x1BF5;
	p2 =	por !p2, p0  }
0x20: {  	[sflag:s8] =	ssyncset.s32 @!p0 $0xFFFFF086;
	s6 =	sadd.s32 @!p0 s3, s7;
	s7 =	simm.s32 @!p0 $0x108  }
0x21: {  	s3 =	sadd.s32 s3, s9;
	s6 =	sadd.s32 @!p0 $0x88, s6;
	s7 =	simm.s32 @p2 $0x1082  }
0x22: {  	[simem:s7], [sflag:s8] =	dma.local @!p0 [hbm:s6], $0xF7A  }
0x23: {  	s9 =	sor.u32 $0xD0000000, s2;
	s6 =	simm.s32 $0x108;
	_ =	swait.ge @!p0 [sflag:s8], $0x0  }
0x24: {  	s3 =	sadd.s32 $0x88, s3;
	s6 =	simm.s32 @!p1 $0x1082;
	[sflag:s4] =	ssyncset.s32 $0xFFFFF086  }
0x25: {  	[simem:s6], [sflag:s4] =	dma.local [hbm:s3], $0xF7A  }
0x26: {  	[smem:$0x3F95] =	sst s1;
	(tag) =	ssettag s2;
	_ =	strace s9  }
0x27: {  	s1 =	sld [smem:$0x3FA5]  }
0x28: {  	s2 =	sld [smem:$0x3FA6]  }
0x29: {  	s4 =	sld [smem:$0x3FA8]  }
0x2a: {  	p0 =	seq.s32 s5, $0x0;
	s5 =	sld [smem:$0x3FA9]  }
0x2b: {  	s6 =	sld [smem:$0x3FAA]  }
0x2c: {  	s7 =	sld [smem:$0x3FAB]  }
0x2d: {  	s3 =	simm.s32 $0x108;
	s8 =	sld [smem:$0x3FAC]  }
0x2e: {  	s3 =	simm.s32 @!p0 $0x1082;
	s9 =	sld [smem:$0x3FAD]  }
0x2f: {  	lr =	sadd.s32 s0, s3;
	s0 =	sld [smem:$0x3FA4]  }
0x30: {  	s3 =	sld [smem:$0x3FA7]  }
0x31: {  	[smem:$0x3FB0] =	sst s10  }
0x32: {  	s10 =	sld [smem:$0x3FAE];
	_ =	sdelay $0x3  }
0x33: {  	p0 =	seq.s32 s10, $0x1;
	s10 =	sld [smem:$0x3FB0];
	_ =	sdelay $0x3  }
0x34: {  	[smem:$0x3FB0] =	sst s10  }
0x35: {  	s10 =	sld [smem:$0x3FAF];
	_ =	sdelay $0x3  }
0x36: {  	p1 =	seq.s32 s10, $0x1;
	s10 =	sld [smem:$0x3FB0];
	_ =	sdelay $0x3  }
0x37: {  	[smem:$0x3FB0] =	sst s10  }
0x38: {  	s10 =	sld [smem:$0x3FB1]  }
0x39: {  	_ = 	snop;
	(pc) =	sbr.ind lr, $3  }
0x3a: {  	_ = 	snop  }
0x3b: {  	_ = 	snop  }
0x3c: {  	p2 =	seq.s32 s10, $0x1;
	s10 =	sld [smem:$0x3FB0]  }
0x3d: {  	_ =	shalt  }
0x3e: {  	_ =	shalt  }
0x3f: {  	_ =	shalt  }
0x40: {  	_ =	shalt  }
0x41: {  	_ =	shalt  }
0x42: {  	_ =	shalt  }
0x43: {  	_ =	shalt  }
0x44: {  	_ =	shalt  }
0x45: {  	_ =	shalt  }
0x46: {  	_ =	shalt  }
0x47: {  	_ =	shalt  }
0x48: {  	_ =	shalt  }
0x49: {  	_ =	shalt  }
0x4a: {  	_ =	shalt  }
0x4b: {  	_ =	shalt  }
0x4c: {  	_ =	shalt  }
0x4d: {  	_ =	shalt  }
0x4e: {  	_ =	shalt  }
0x4f: {  	_ =	shalt  }
0x50: {  	_ =	shalt  }
0x51: {  	_ =	shalt  }
0x52: {  	_ =	shalt  }
0x53: {  	_ =	shalt  }
0x54: {  	_ =	shalt  }
0x55: {  	_ =	shalt  }
0x56: {  	_ =	shalt  }
0x57: {  	_ =	shalt  }
0x58: {  	_ =	shalt  }
0x59: {  	_ =	shalt  }
0x5a: {  	_ =	shalt  }
0x5b: {  	_ =	shalt  }
0x5c: {  	_ =	shalt  }
0x5d: {  	_ =	shalt  }
0x5e: {  	_ =	shalt  }
0x5f: {  	_ =	shalt  }
0x60: {  	_ =	shalt  }
0x61: {  	_ =	shalt  }
0x62: {  	_ =	shalt  }
0x63: {  	_ =	shalt  }
0x64: {  	_ =	shalt  }
0x65: {  	_ =	shalt  }
0x66: {  	_ =	shalt  }
0x67: {  	_ =	shalt  }
0x68: {  	_ =	shalt  }
0x69: {  	_ =	shalt  }
0x6a: {  	_ =	shalt  }
0x6b: {  	_ =	shalt  }
0x6c: {  	_ =	shalt  }
0x6d: {  	_ =	shalt  }
0x6e: {  	_ =	shalt  }
0x6f: {  	_ =	shalt  }
0x70: {  	_ =	shalt  }
0x71: {  	_ =	shalt  }
0x72: {  	_ =	shalt  }
0x73: {  	_ =	shalt  }
0x74: {  	_ =	shalt  }
0x75: {  	_ =	shalt  }
0x76: {  	_ =	shalt  }
0x77: {  	_ =	shalt  }
0x78: {  	_ =	shalt  }
0x79: {  	_ =	shalt  }
0x7a: {  	_ =	shalt  }
0x7b: {  	_ =	shalt  }
0x7c: {  	_ =	shalt  }
0x7d: {  	_ =	shalt  }
0x7e: {  	_ =	shalt  }
0x7f: {  	_ =	shalt  }
0x80: {  	_ =	shalt  }
0x81: {  	_ =	shalt  }
0x82: {  	_ =	shalt  }
0x83: {  	_ =	shalt  }
0x84: {  	_ =	shalt  }
0x85: {  	_ =	shalt  }
0x86: {  	_ =	shalt  }
0x87: {  	_ =	shalt  }
.Lfunc_end0:
.L_simem_size_0:
called_computation.3_lowered:
.L_overlay_start_0:
0x88: {  	s2 =	sld [smem:$0x3FD9]  }
0x89: {  	s3 =	sld [smem:$0x3FFE];
	_ =	sdelay $0x1  }
0x8a: {  	s1 =	srdreg.scid  }
0x8b: {  	s0 =	sand.u32 $0x1, s1  }
0x8c: {  	s15 =	sshll.u32 s0, $0xA;
	s2 =	sadd.s32 s3, s2  }
0x8d: {  	s2 =	sadd.s32 s2, s15  }
0x8e: {  	[smem:$0x3FBC] =	sst s2  }
0x8f: {  	_ = 	snop  }
0x90: {  	s2 =	sld [smem:$0x3FD0];
	_ =	sdelay $0x2  }
0x91: {  	s16 =	simm.s32 $0xB;
	s4 =	simm.s32 $0x10  }
0x92: {  	[smem:s4], [sflag:s16] =	dma.local [hbm:s2], $0x1  }
0x93: {  	_ =	swait.eq [sflag:s16], $0x1  }
0x94: {  	[sflag:s16] =	ssyncset.done $0x0  }
0x95: {  	[sflag:s16] =	ssyncadd.s32 $0xFFFFFFFF  }
0x96: {  	s17 =	sld [smem:$0x11];
	(tm) =	ssettm $0x1  }
0x97: {  	s18 =	sld [smem:$0x3FFB];
	_ =	sdelay $0x3  }
0x98: {  	_ =	strace s18  }
0x99: {  	s2 =	sld [smem:$0x3FFC];
	_ =	sdelay $0x3  }
0x9a: {  	_ =	strace s2  }
0x9b: {  	s2 =	sld [smem:$0x3FFD];
	_ =	sdelay $0x3  }
0x9c: {  	_ =	strace s2  }
0x9d: {  	_ =	strace $0x8FFFFFFF  }
0x9e: {  	s19 =	sld [smem:$0x3FDB];
	_ =	sdelay $0x1  }
0x9f: {  	s20 =	simm.s32 $_scs_section_size  }
0xa0: {  	s5 =	simm.s32 $_size__tile_overlayer_lowered;
	s6 =	simm.s32 $_tile_overlayer_lowered  }
0xa1: {  	s7 =	simm.s32 $0x1BFF;
	s21 =	sshll.u32 s6, $0x1;
	s4 =	sadd.s32 s20, s19  }
0xa2: {  	s22 =	simm.s32 $0x0;
	s5 =	sshll.u32 s5, $0x1;
	s6 =	sadd.s32 s21, s4  }
0xa3: {  	[timem:s22], [sflag:s7] =	dma.local [hbm:s6], s5  }
0xa4: {  	_ =	swait.ge [sflag:s7], s5  }
0xa5: {  	s5 =	ssub.s32 $0x0, s5;
	[sflag:s7] =	ssyncset.done $0x0  }
0xa6: {  	[sflag:s7] =	ssyncadd.s32 s5;
	_ =	sdelay $0x1  }
0xa7: {  	s23 =	simm.s32 $0x1B8B  }
0xa8: {  	_ =	swait.ge [sflag:s23], $0x1  }
0xa9: {  	[sflag:s23] =	ssyncset.done $0x0  }
0xaa: {  	[sflag:s23] =	ssyncadd.s32 $0xFFFFFFFF  }
0xab: {  	s5 =	sld [smem:$0x0]  }
0xac: {  	s6 =	sand.u32 $0xFFFFFFFE, s1  }
0xad: {  	p0 =	sne.s32 s1, s6  }
0xae: {  	s6 =	sshll.u32 @p0 s6, $0xE  }
0xaf: {  	s6 =	sadd.s32 @p0 $0x11B8D, s6;
	s7 =	sshll.u32 @p0 s5, $0x11  }
0xb0: {  	s6 =	sor.u32 @p0 s7, s6  }
0xb1: {  	[sflag:s6] =	ssyncadd.remote.s32 @p0 $0x1;
	_ =	sdelay $0x1  }
0xb2: {  	s6 =	simm.s32 @p0 $0x1B8D  }
0xb3: {  	_ =	swait.eq @p0 [sflag:s6], $0x1  }
0xb4: {  	[sflag:s6] =	ssyncadd.s32 @p0 $0xFFFFFFFF  }
0xb5: {  	s7 =	sshll.u32 @!p0 s1, $0xE  }
0xb6: {  	s7 =	sor.u32 @!p0 $0x4000, s7;
	s6 =	simm.s32 @!p0 $0x1B8D  }
0xb7: {  	s5 =	sshll.u32 @!p0 s5, $0x11;
	s7 =	sadd.s32 @!p0 $0x11B8D, s7;
	_ =	swait.eq @!p0 [sflag:s6], $0x1  }
0xb8: {  	s5 =	sor.u32 @!p0 s5, s7;
	[sflag:s6] =	ssyncadd.s32 @!p0 $0xFFFFFFFF  }
0xb9: {  	s25 =	simm.s32 $0x1B8E;
	s24 =	sld [smem:$0x3FFE];
	[sflag:s5] =	ssyncadd.remote.s32 @!p0 $0x1  }
0xba: {  	s26 =	simm.s32 $execute0_lowered;
	[smem:$0x3FD2] =	sst s25  }
0xbb: {  	s6 =	sshll.u32 s26, $0x1;
	_ =	strace $0x8000004F;
	[dreg:$0x1] =	wrdreg $0xFFFFFFFF  }
0xbc: {  	s28 =	simm.s32 $_size_execute0_lowered;
	s4 =	sadd.s32 s4, s6;
	[dreg:$0x0] =	wrdreg $0x0  }
0xbd: {  	s6 =	sshll.u32 s28, $0x1;
	[dreg:$0x2] =	wrdreg s4  }
0xbe: {  	[dreg:$0x3] =	wrdreg s6  }
0xbf: {  	[dreg:$0x4] =	wrdreg $0xC0  }
0xc0: {  	_ =	task [dreg:s22], $0x5FFFF  }
0xc1: {  	[dreg:$0x1] =	wrdreg $0xFFFFFFFF  }
0xc2: {  	[dreg:$0x0] =	wrdreg $0x60  }
0xc3: {  	[dreg:$0x2] =	wrdreg s24  }
0xc4: {  	[dreg:$0x3] =	wrdreg s17  }
0xc5: {  	[dreg:$0x4] =	wrdreg $0xA  }
0xc6: {  	_ =	task.clear_ibuf [dreg:s22], $0x5FFFF;
	_ =	strace $0x9000004F  }
0xc7: {  	s29 =	simm.s32 $0xA;
	_ =	strace $0x80000051  }
0xc8: {  	_ =	swait.ge [sflag:s29], $0x1  }
0xc9: {  	[sflag:s29] =	ssyncadd.s32 $0xFFFFFFFF  }
0xca: {  	_ =	strace $0x90000051  }
0xcb: {  	_ =	sfence  }
0xcc: {  	s30 =	sld [smem:$0x0];
	_ =	sdelay $0x2  }
0xcd: {  	s31 =	sshll.u32 s1, $0xD;
	s1 =	sshrl.u32 s1, $0x2  }
0xce: {  	s4 =	sand.u32 $0x4000, s31;
	s1 =	sadd.s32 s1, s30  }
0xcf: {  	s0 =	sor.u32 s4, s0;
	s1 =	sshll.u32 s1, $0x11  }
0xd0: {  	s0 =	sor.u32 s1, s0  }
0xd1: {  	s0 =	sadd.s32 $0x8F2B, s0  }
0xd2: {  	[sflag:s0] =	ssyncadd.remote.s32 $0x1  }
0xd3: {  	_ =	sfence.sel $0xFFFF  }
0xd4: {  	[dreg:$0x0] =	wrdreg $0xFFFFFFFF;
	(pc) =	sbr.abs _section_cstart, $3  }
0xd5: {  	[dreg:$0x1] =	wrdreg $0xFFFFFFFF  }
0xd6: {  	_ =	task.clear_ibuf [dreg:s22], $0x2FFFF;
	_ =	strace $0x9FFFFFFF  }
0xd7: {  	(tm) =	ssettm $0x7FFFFFFF  }
tec
execute0_lowered:
.L_overlay_start_1:
0x0: {  	(tag) =	ssettag $0x1  }
0x1: {  	s7 =	rddreg [dreg:$0x0]  }
0x2: {  	s2 =	rddreg [dreg:$0x1]  }
0x3: {  	s0 =	rddreg [dreg:$0x2]  }
0x4: {  	s1 =	srdreg.scid;
	_ =	strace $0x80000050;
	s4 =	simm.s32 $0x1  }
0x5: {  	s9 =	simm.s32 $0x3;
	s11 =	simm.s32 $0x0;
	s5 =	sshll.u32 s1, $0x4  }
.Ltmp0:
0x6: {  	s1 =	stileid.u32;
	s5 =	sand.u32 $0x10, s5;
	(pc) =	sbr.rel .LBB2_1-.Ltmp0, $4  }
0x7: {  	p0 =	por $0x0, $0x0;
	s3 =	sadd.s32 $0x81800, s7;
	s6 =	sor.u32 s1, s5  }
0x8: {  	[sflag:s4] =	ssyncpa.u1 $0x0;
	s5 =	simm.s32 $0x2;
	s6 =	sshll.u32 s6, $0xA  }
0x9: {  	s7 =	sadd.s32 $0x202E00, s7;
	[sflag:s5] =	ssyncpa.u1 $0x0;
	s8 =	sadd.s32 $0x400, s6  }
0xa: {  	vm0 =	vmmov $0xff;
	vm1 =	vcmask $0x3F20;
	[sflag:s9] =	ssyncpa.u1 $0x0;
	s10 =	smov.u32 s6;
	s9 =	simm.s32 $0x0  }
.LBB2_7:
0xb: {  	p1 =	slt.u32 s9, $0x2;
	s11 =	sadd.s32 $0x100, s10  }
0xc: {  	s13 =	smov.u32 s6;
	s9 =	sadd.s32 $0x1, s9;
	p2 =	slt.s32 s11, s8  }
0xd: {  	s13 =	smov.u32 @p2 s11;
	p2 =	sne.s32 s9, $0x6  }
.Ltmp1:
0xe: {  	_ = 	snop;
	(pc) =	sbr.rel @!p2 .LBB2_8-.Ltmp1, $4  }
0xf: {  	s12 =	simm.s32 @!p1 $0x3  }
0x10: {  	_ =	swait.ge @!p1 [sflag:s12], $0x8000  }
0x11: {  	p0 =	por !p0, !p0;
	[sflag:s12] =	ssyncset.done @!p1 $0x0  }
0x12: {  	s11 =	smov.u32 s10;
	s10 =	smov.u32 s13;
	[sflag:s12] =	ssyncadd.s32 @!p1 $0xFFFF8000  }
.LBB2_1:
0x13: {  	p1 =	sgt.u32 s9, $0x3  }
0x14: {  	s12 =	sxor.u32 @!p1 $0xFFFFFFFF, s9  }
0x15: {  	s13 =	sshrl.u32 @!p1 s10, $0x3;
	s12 =	sshll.u32 @!p1 s12, $0x8  }
0x16: {  	s14 =	sand.u32 @!p1 $0x7, s10;
	s13 =	sadd.s32 @!p1 s2, s13;
	s12 =	sand.u32 @!p1 $0x100, s12  }
0x17: {  	[tilespmem:s12], [sflag:$0x2] =	stream.linear.gather @!p1 [hbm4b:s13+s14], $0x100, $0x38;
	[tilespmem:$0x10200] =	vst v63  }
0x18: {  	p1 =	seq.s32 s9, $0x0  }
0x19: {  	p2 =	seq.s32 @!p1 s9, $0x5  }
0x1a: {  	p1 =	por p1, p2  }
.Ltmp2:
0x1b: {  	_ = 	snop;
	(pc) =	sbr.rel @p1 .LBB2_7-.Ltmp2, $1  }
0x1c: {  	_ =	sdelay $0x3  }
0x1d: {  	s12 =	simm.s32 $0x1  }
0x1e: {  	_ =	swait.ge [sflag:s5], $0x100;
	s12 =	simm.s32 @!p0 $0x0  }
0x1f: {  	[sflag:s5] =	ssyncset.done $0x0;
	s14 =	sshll.u32 s12, $0x8  }
0x20: {  	[sflag:s5] =	ssyncadd.s32 $0xFFFFFF00;
	s13 =	sadd.s32 $0x0, s14  }
0x21: {  	v0 =	vld.msk [tilespmem:s13+$0x0 ss:$0x1], $0xffff;
	_ =	sdelay $0x4  }
0x22: {  	vm2 =	vgt.s32 v0, $0x0  }
0x23: {  	v0 =	vnsel vm2, $0x0, v0  }
0x24: {  	v0 =	vmin.u32 v0, $0x7FFF  }
0x25: {  	v0 =	vshll.u32 v0, $0x4;
	_ =	sdelay $0x2  }
0x26: {  	s12 =	sshll.u32 s12, $0xF  }
0x27: {  	s12 =	sor.u32 $0x200, s12  }
0x28: {  	[tilespmem:s12], [sflag:$0x1] =	stream.indirect_vreg.gather [hbm:s3], $0x80, v0, vm0, $0x38;
	[tilespmem:$0x10200] =	vst v63  }
0x29: {  	s15 =	sadd.s32 $0x10, s14;
	s13 =	sadd.s32 $0x400, s12  }
0x2a: {  	[tilespmem:s13], [sflag:$0x1] =	stream.indirect_vreg.gather [hbm:s3], $0x80, v0, vm1, $0x38;
	[tilespmem:$0x10200] =	vst v63  }
0x2b: {  	s16 =	simm.s32 $0x80;
	v0 =	vld.msk [tilespmem:s15+$0x0 ss:$0x1], $0xffff;
	s15 =	smov.u32 s12  }
.LBB2_3:
0x2c: {  	p1 =	sne.s32 s16, $0x3C0;
	_ =	sdelay $0x4  }
0x2d: {  	vm2 =	vgt.s32 v0, $0x0  }
0x2e: {  	v0 =	vnsel vm2, $0x0, v0  }
0x2f: {  	v0 =	vmin.u32 v0, $0x7FFF  }
0x30: {  	v0 =	vshll.u32 v0, $0x4;
	_ =	sdelay $0x3  }
.Ltmp3:
0x31: {  	s17 =	sshra.s32 s16, $0x2;
	s15 =	sadd.s32 $0x800, s15;
	(pc) =	sbr.rel @p1 .LBB2_3-.Ltmp3, $4  }
0x32: {  	[tilespmem:s15], [sflag:$0x1] =	stream.indirect_vreg.gather [hbm:s3], $0x80, v0, vm0, $0x38;
	[tilespmem:$0x10200] =	vst v63  }
0x33: {  	s17 =	sadd.s32 s17, s14;
	s18 =	sadd.s32 $0x400, s15  }
0x34: {  	[tilespmem:s18], [sflag:$0x1] =	stream.indirect_vreg.gather [hbm:s3], $0x80, v0, vm1, $0x38;
	[tilespmem:$0x10200] =	vst v63  }
0x35: {  	s16 =	sadd.s32 $0x40, s16;
	v0 =	vld.msk [tilespmem:s17+$0x0 ss:$0x1], $0xffff  }
0x36: {  	_ =	sdelay $0x3  }
0x37: {  	vm2 =	vgt.s32 v0, $0x0  }
0x38: {  	v0 =	vnsel vm2, $0x0, v0  }
0x39: {  	v0 =	vmin.u32 v0, $0x7FFF  }
0x3a: {  	v0 =	vshll.u32 v0, $0x4;
	_ =	sdelay $0x3  }
0x3b: {  	s14 =	sadd.s32 $0x800, s15  }
0x3c: {  	[tilespmem:s14], [sflag:$0x1] =	stream.indirect_vreg.gather [hbm:s3], $0x80, v0, vm0, $0x38;
	[tilespmem:$0x10200] =	vst v63  }
0x3d: {  	s14 =	sadd.s32 $0x400, s14  }
0x3e: {  	[tilespmem:s14], [sflag:$0x1] =	stream.indirect_vreg.gather [hbm:s3], $0x80, v0, vm1, $0x38;
	[tilespmem:$0x10200] =	vst v63  }
0x3f: {  	s11 =	sshll.u32 s11, $0x4;
	_ =	swait.ge [sflag:s4], $0x8000  }
0x40: {  	s11 =	sadd.s32 s11, s7;
	[sflag:s4] =	ssyncset.done $0x0  }
0x41: {  	s15 =	sadd.s32 $0x0, s11;
	s14 =	simm.s32 $0x80;
	[sflag:s4] =	ssyncadd.s32 $0xFFFF8000  }
.LBB2_5:
0x42: {  	[hbm:s15] =	stream.linear.scatter [tilespmem:s12], [sflag:$0x3], $0x400, $0x38;
	[tilespmem:$0x10200] =	vst v63  }
0x43: {  	s15 =	smov.u32 s14;
	s12 =	smov.u32 s13;
	p1 =	sne.s32 s14, $0xF80  }
.Ltmp4:
0x44: {  	s14 =	sadd.s32 $0x80, s14;
	(pc) =	sbr.rel @p1 .LBB2_5-.Ltmp4, $2  }
0x45: {  	_ =	sdelay $0x2  }
0x46: {  	s13 =	sadd.s32 $0x400, s13;
	s15 =	sadd.s32 s15, s11  }
.Ltmp5:
0x47: {  	(pc) =	sbr.rel .LBB2_7-.Ltmp5, $2  }
0x48: {  	_ =	sdelay $0x2  }
0x49: {  	[hbm:s15] =	stream.linear.scatter [tilespmem:s12], [sflag:$0x3], $0x400, $0x38;
	[tilespmem:$0x10200] =	vst v63  }
.LBB2_8:
0x4a: {  	_ =	sfence.sel $0x180000  }
0x4b: {  	s2 =	simm.s32 $0x2;
	[bflag:$0x0] =	sbarrier.arrive $0xFFFF  }
0x4c: {  	s30 =	simm.s32 $0x3;
	[sflag:s2] =	ssyncpa.u1 $0x1  }
0x4d: {  	s31 =	simm.s32 $0x1;
	[sflag:s30] =	ssyncpa.u1 $0x1  }
0x4e: {  	[sflag:s31] =	ssyncpa.u1 $0x1  }
0x4f: {  	p0 =	sne.s32 s1, $0x0;
	_ =	strace $0x90000050  }
0x50: {  	s0 =	sadd.s32 @!p0 $0x100000, s0;
	[bflag:$0x2] =	sbarrier.arrive $0xFFFF  }
0x51: {  	[sflag:s0] =	ssyncadd.tile.s32 @!p0 $0x1;
	_ =	shalt  }
.Lfunc_end2:
_tile_overlayer_lowered:
.L_overlay_start_2:
0x52: {  	(tag) =	ssettag $0x2  }
0x53: {  	s0 =	rddreg [dreg:$0x0];
	s2 =	stileid.u32  }
0x54: {  	s1 =	rddreg [dreg:$0x1];
	p0 =	sne.s32 s2, $0x0  }
0x55: {  	s3 =	rddreg [dreg:$0x2];
	[bflag:$0x3] =	sbarrier.arrive $0xFFFF;
	s2 =	simm.s32 @!p0 $0x1C01  }
0x56: {  	[timem:s3], [sflag:s2] =	dma.local @!p0 [hbm:s0], s1  }
0x57: {  	s0 =	simm.s32 @!p0 $0x1  }
0x58: {  	_ =	swait.ge @!p0 [sflag:s0], s1  }
0x59: {  	s1 =	ssub.s32 @!p0 $0x0, s1;
	[sflag:s0] =	ssyncset.done @!p0 $0x0  }
0x5a: {  	[sflag:s0] =	ssyncadd.s32 @!p0 s1  }
0x5b: {  	[bflag:$0x3] =	sbarrier.arrive $0xFFFF  }
0x5c: {  	_ =	shalt  }

// kernel: gather_offload_async_start.3
scs
__scs_entry_jumppad:
0x0: {  	(pc) =	sbr.rel $0x88, $3  }
0x1: {  	(tag) =	ssettag $0x0;
	lr =	simm.s32 $0x1  }
0x2: {  	[smem:$0x3F95] =	sst lr;
	_ =	strace $0xD0000000  }
0x3: {  	_ = 	snop  }
0x4: {  	_ = 	snop  }
0x5: {  	_ = 	snop  }
0x6: {  	_ = 	snop  }
0x7: {  	_ = 	snop  }
__scs_overlays_trampoline_lowered:
0x8: {  	[smem:$0x3FA4] =	sst s0  }
0x9: {  	[smem:$0x3FA5] =	sst s1  }
0xa: {  	[smem:$0x3FA6] =	sst s2  }
0xb: {  	[smem:$0x3FA7] =	sst s3  }
0xc: {  	[smem:$0x3FA8] =	sst s4  }
0xd: {  	[smem:$0x3FA9] =	sst s5  }
0xe: {  	[smem:$0x3FAA] =	sst s6  }
0xf: {  	[smem:$0x3FAB] =	sst s7  }
0x10: {  	[smem:$0x3FAC] =	sst s8  }
0x11: {  	[smem:$0x3FAD] =	sst s9;
	s0 =	simm.s32 @!p0 $0x0  }
0x12: {  	s1 =	sld [smem:$0x3F93];
	s0 =	simm.s32 @p0 $0x1  }
0x13: {  	[smem:$0x3FAE] =	sst s0;
	s0 =	simm.s32 @!p1 $0x0  }
0x14: {  	s2 =	sld [smem:$0x3F92];
	s0 =	simm.s32 @p1 $0x1  }
0x15: {  	[smem:$0x3FAF] =	sst s0;
	s0 =	simm.s32 @!p2 $0x0  }
0x16: {  	s3 =	sld [smem:$0x3FDB];
	s0 =	simm.s32 @p2 $0x1  }
0x17: {  	s4 =	simm.s32 $0x1BF5;
	[smem:$0x3FB1] =	sst s0  }
0x18: {  	s0 =	sld [smem:$0x3F94];
	_ =	swait.ge [sflag:s4], $0x0  }
0x19: {  	s7 =	sld [smem:$0x3F95]  }
0x1a: {  	s8 =	sadd.s32 $0xFFFFE003, lr  }
0x1b: {  	s9 =	sadd.s32 $0xFFFFFEF7, lr;
	s5 =	simm.s32 $0xFFFFFFFF;
	p2 =	slt.u32 s8, $0xFFFFF086  }
0x1c: {  	p1 =	slt.u32 s9, $0xF7A;
	s5 =	simm.s32 @!p2 $0x0  }
0x1d: {  	s5 =	simm.s32 @p1 $0x1;
	p0 =	seq.s32 s7, s2  }
0x1e: {  	s7 =	smul.u32 @!p0 $0xF7A, s2;
	p2 =	seq.s32 @!p0 s5, $0x0  }
0x1f: {  	s9 =	smul.u32 $0xF7A, s1;
	s8 =	simm.s32 @!p0 $0x1BF5;
	p2 =	por !p2, p0  }
0x20: {  	[sflag:s8] =	ssyncset.s32 @!p0 $0xFFFFF086;
	s6 =	sadd.s32 @!p0 s3, s7;
	s7 =	simm.s32 @!p0 $0x108  }
0x21: {  	s3 =	sadd.s32 s3, s9;
	s6 =	sadd.s32 @!p0 $0x88, s6;
	s7 =	simm.s32 @p2 $0x1082  }
0x22: {  	[simem:s7], [sflag:s8] =	dma.local @!p0 [hbm:s6], $0xF7A  }
0x23: {  	s9 =	sor.u32 $0xD0000000, s2;
	s6 =	simm.s32 $0x108;
	_ =	swait.ge @!p0 [sflag:s8], $0x0  }
0x24: {  	s3 =	sadd.s32 $0x88, s3;
	s6 =	simm.s32 @!p1 $0x1082;
	[sflag:s4] =	ssyncset.s32 $0xFFFFF086  }
0x25: {  	[simem:s6], [sflag:s4] =	dma.local [hbm:s3], $0xF7A  }
0x26: {  	[smem:$0x3F95] =	sst s1;
	(tag) =	ssettag s2;
	_ =	strace s9  }
0x27: {  	s1 =	sld [smem:$0x3FA5]  }
0x28: {  	s2 =	sld [smem:$0x3FA6]  }
0x29: {  	s4 =	sld [smem:$0x3FA8]  }
0x2a: {  	p0 =	seq.s32 s5, $0x0;
	s5 =	sld [smem:$0x3FA9]  }
0x2b: {  	s6 =	sld [smem:$0x3FAA]  }
0x2c: {  	s7 =	sld [smem:$0x3FAB]  }
0x2d: {  	s3 =	simm.s32 $0x108;
	s8 =	sld [smem:$0x3FAC]  }
0x2e: {  	s3 =	simm.s32 @!p0 $0x1082;
	s9 =	sld [smem:$0x3FAD]  }
0x2f: {  	lr =	sadd.s32 s0, s3;
	s0 =	sld [smem:$0x3FA4]  }
0x30: {  	s3 =	sld [smem:$0x3FA7]  }
0x31: {  	[smem:$0x3FB0] =	sst s10  }
0x32: {  	s10 =	sld [smem:$0x3FAE];
	_ =	sdelay $0x3  }
0x33: {  	p0 =	seq.s32 s10, $0x1;
	s10 =	sld [smem:$0x3FB0];
	_ =	sdelay $0x3  }
0x34: {  	[smem:$0x3FB0] =	sst s10  }
0x35: {  	s10 =	sld [smem:$0x3FAF];
	_ =	sdelay $0x3  }
0x36: {  	p1 =	seq.s32 s10, $0x1;
	s10 =	sld [smem:$0x3FB0];
	_ =	sdelay $0x3  }
0x37: {  	[smem:$0x3FB0] =	sst s10  }
0x38: {  	s10 =	sld [smem:$0x3FB1]  }
0x39: {  	_ = 	snop;
	(pc) =	sbr.ind lr, $3  }
0x3a: {  	_ = 	snop  }
0x3b: {  	_ = 	snop  }
0x3c: {  	p2 =	seq.s32 s10, $0x1;
	s10 =	sld [smem:$0x3FB0]  }
0x3d: {  	_ =	shalt  }
0x3e: {  	_ =	shalt  }
0x3f: {  	_ =	shalt  }
0x40: {  	_ =	shalt  }
0x41: {  	_ =	shalt  }
0x42: {  	_ =	shalt  }
0x43: {  	_ =	shalt  }
0x44: {  	_ =	shalt  }
0x45: {  	_ =	shalt  }
0x46: {  	_ =	shalt  }
0x47: {  	_ =	shalt  }
0x48: {  	_ =	shalt  }
0x49: {  	_ =	shalt  }
0x4a: {  	_ =	shalt  }
0x4b: {  	_ =	shalt  }
0x4c: {  	_ =	shalt  }
0x4d: {  	_ =	shalt  }
0x4e: {  	_ =	shalt  }
0x4f: {  	_ =	shalt  }
0x50: {  	_ =	shalt  }
0x51: {  	_ =	shalt  }
0x52: {  	_ =	shalt  }
0x53: {  	_ =	shalt  }
0x54: {  	_ =	shalt  }
0x55: {  	_ =	shalt  }
0x56: {  	_ =	shalt  }
0x57: {  	_ =	shalt  }
0x58: {  	_ =	shalt  }
0x59: {  	_ =	shalt  }
0x5a: {  	_ =	shalt  }
0x5b: {  	_ =	shalt  }
0x5c: {  	_ =	shalt  }
0x5d: {  	_ =	shalt  }
0x5e: {  	_ =	shalt  }
0x5f: {  	_ =	shalt  }
0x60: {  	_ =	shalt  }
0x61: {  	_ =	shalt  }
0x62: {  	_ =	shalt  }
0x63: {  	_ =	shalt  }
0x64: {  	_ =	shalt  }
0x65: {  	_ =	shalt  }
0x66: {  	_ =	shalt  }
0x67: {  	_ =	shalt  }
0x68: {  	_ =	shalt  }
0x69: {  	_ =	shalt  }
0x6a: {  	_ =	shalt  }
0x6b: {  	_ =	shalt  }
0x6c: {  	_ =	shalt  }
0x6d: {  	_ =	shalt  }
0x6e: {  	_ =	shalt  }
0x6f: {  	_ =	shalt  }
0x70: {  	_ =	shalt  }
0x71: {  	_ =	shalt  }
0x72: {  	_ =	shalt  }
0x73: {  	_ =	shalt  }
0x74: {  	_ =	shalt  }
0x75: {  	_ =	shalt  }
0x76: {  	_ =	shalt  }
0x77: {  	_ =	shalt  }
0x78: {  	_ =	shalt  }
0x79: {  	_ =	shalt  }
0x7a: {  	_ =	shalt  }
0x7b: {  	_ =	shalt  }
0x7c: {  	_ =	shalt  }
0x7d: {  	_ =	shalt  }
0x7e: {  	_ =	shalt  }
0x7f: {  	_ =	shalt  }
0x80: {  	_ =	shalt  }
0x81: {  	_ =	shalt  }
0x82: {  	_ =	shalt  }
0x83: {  	_ =	shalt  }
0x84: {  	_ =	shalt  }
0x85: {  	_ =	shalt  }
0x86: {  	_ =	shalt  }
0x87: {  	_ =	shalt  }
.Lfunc_end0:
.L_simem_size_0:
called_computation.4_lowered:
.L_overlay_start_0:
0x88: {  	s2 =	sld [smem:$0x3FD9]  }
0x89: {  	s3 =	sld [smem:$0x3FFE];
	_ =	sdelay $0x1  }
0x8a: {  	s1 =	srdreg.scid  }
0x8b: {  	s0 =	sand.u32 $0x1, s1  }
0x8c: {  	s14 =	sshll.u32 s0, $0xA;
	s2 =	sadd.s32 s3, s2  }
0x8d: {  	s2 =	sadd.s32 s2, s14  }
0x8e: {  	[smem:$0x3FBC] =	sst s2  }
0x8f: {  	_ = 	snop  }
0x90: {  	s2 =	sld [smem:$0x3FD0];
	_ =	sdelay $0x2  }
0x91: {  	s15 =	simm.s32 $0xB;
	s4 =	simm.s32 $0x10  }
0x92: {  	[smem:s4], [sflag:s15] =	dma.local [hbm:s2], $0x1  }
0x93: {  	_ =	swait.eq [sflag:s15], $0x1  }
0x94: {  	[sflag:s15] =	ssyncset.done $0x0  }
0x95: {  	s16 =	sld [smem:$0x10];
	[sflag:s15] =	ssyncadd.s32 $0xFFFFFFFF  }
0x96: {  	s17 =	sld [smem:$0x11];
	(tm) =	ssettm $0x1  }
0x97: {  	s18 =	sld [smem:$0x3FFB];
	_ =	sdelay $0x3  }
0x98: {  	_ =	strace s18  }
0x99: {  	s4 =	sld [smem:$0x3FFC];
	_ =	sdelay $0x3  }
0x9a: {  	_ =	strace s4  }
0x9b: {  	s4 =	sld [smem:$0x3FFD];
	_ =	sdelay $0x3  }
0x9c: {  	_ =	strace s4  }
0x9d: {  	_ =	strace $0x8FFFFFFF  }
0x9e: {  	s19 =	sld [smem:$0x3FDB];
	_ =	sdelay $0x1  }
0x9f: {  	s5 =	simm.s32 $_scs_section_size  }
0xa0: {  	s6 =	simm.s32 $_size__tile_overlayer_lowered;
	s7 =	simm.s32 $_tile_overlayer_lowered  }
0xa1: {  	s22 =	simm.s32 $0x1BFF;
	s21 =	sshll.u32 s7, $0x1;
	s4 =	sadd.s32 s5, s19  }
0xa2: {  	s8 =	simm.s32 $0x0;
	s20 =	sshll.u32 s6, $0x1;
	s6 =	sadd.s32 s21, s4  }
0xa3: {  	[timem:s8], [sflag:s22] =	dma.local [hbm:s6], s20  }
0xa4: {  	_ =	swait.ge [sflag:s22], s20  }
0xa5: {  	s5 =	ssub.s32 $0x0, s20;
	[sflag:s22] =	ssyncset.done $0x0  }
0xa6: {  	[sflag:s22] =	ssyncadd.s32 s5;
	_ =	sdelay $0x1  }
0xa7: {  	s23 =	simm.s32 $0x1B8B  }
0xa8: {  	_ =	swait.ge [sflag:s23], $0x1  }
0xa9: {  	[sflag:s23] =	ssyncset.done $0x0  }
0xaa: {  	s25 =	simm.s32 $0x1B8E;
	s24 =	sld [smem:$0x3FFE];
	[sflag:s23] =	ssyncadd.s32 $0xFFFFFFFF  }
0xab: {  	s26 =	simm.s32 $execute0_lowered;
	[smem:$0x3FD2] =	sst s25  }
0xac: {  	s6 =	sshll.u32 s26, $0x1;
	_ =	strace $0x80000052;
	[dreg:$0x1] =	wrdreg $0xFFFFFFFF  }
0xad: {  	s28 =	simm.s32 $_size_execute0_lowered;
	s4 =	sadd.s32 s4, s6;
	[dreg:$0x0] =	wrdreg $0x0  }
0xae: {  	s6 =	sshll.u32 s28, $0x1;
	[dreg:$0x2] =	wrdreg s4  }
0xaf: {  	[dreg:$0x3] =	wrdreg s6  }
0xb0: {  	[dreg:$0x4] =	wrdreg $0xC0  }
0xb1: {  	_ =	task [dreg:s8], $0x5FFFF  }
0xb2: {  	[dreg:$0x1] =	wrdreg $0xFFFFFFFF  }
0xb3: {  	[dreg:$0x0] =	wrdreg $0x60  }
0xb4: {  	[dreg:$0x2] =	wrdreg s24  }
0xb5: {  	[dreg:$0x3] =	wrdreg s16  }
0xb6: {  	[dreg:$0x4] =	wrdreg s17  }
0xb7: {  	[dreg:$0x5] =	wrdreg $0x9  }
0xb8: {  	_ =	task.clear_ibuf [dreg:s8], $0x6FFFF;
	_ =	strace $0x90000052  }
0xb9: {  	s29 =	simm.s32 $0x9;
	_ =	strace $0x80000054  }
0xba: {  	_ =	swait.ge [sflag:s29], $0x1  }
0xbb: {  	[sflag:s29] =	ssyncadd.s32 $0xFFFFFFFF  }
0xbc: {  	_ =	strace $0x90000054  }
0xbd: {  	_ =	sfence  }
0xbe: {  	s30 =	sld [smem:$0x0];
	_ =	sdelay $0x2  }
0xbf: {  	s31 =	sshll.u32 s1, $0xD;
	s1 =	sshrl.u32 s1, $0x2  }
0xc0: {  	s3 =	sand.u32 $0x4000, s31;
	s1 =	sadd.s32 s1, s30  }
0xc1: {  	s0 =	sor.u32 s3, s0;
	s1 =	sshll.u32 s1, $0x11  }
0xc2: {  	s0 =	sor.u32 s1, s0  }
0xc3: {  	s0 =	sadd.s32 $0x8F2B, s0  }
0xc4: {  	[sflag:s0] =	ssyncadd.remote.s32 $0x1  }
0xc5: {  	_ =	sfence.sel $0xFFFF  }
0xc6: {  	[dreg:$0x0] =	wrdreg $0xFFFFFFFF;
	(pc) =	sbr.abs _section_cstart, $3  }
0xc7: {  	[dreg:$0x1] =	wrdreg $0xFFFFFFFF  }
0xc8: {  	_ =	task.clear_ibuf [dreg:s8], $0x2FFFF;
	_ =	strace $0x9FFFFFFF  }
0xc9: {  	(tm) =	ssettm $0x7FFFFFFF  }
tec
execute0_lowered:
.L_overlay_start_1:
0x0: {  	(tag) =	ssettag $0x1  }
0x1: {  	s8 =	rddreg [dreg:$0x0]  }
0x2: {  	s2 =	rddreg [dreg:$0x1]  }
0x3: {  	s3 =	rddreg [dreg:$0x2];
	s1 =	stileid.u32  }
0x4: {  	s4 =	srdreg.scid;
	s0 =	rddreg [dreg:$0x3];
	_ =	strace $0x80000053  }
0x5: {  	s7 =	simm.s32 $0x1;
	s9 =	simm.s32 $0x1;
	s10 =	simm.s32 $0x3  }
0x6: {  	s13 =	simm.s32 $0x0;
	s5 =	sand.u32 $0x1, s4;
	s6 =	sshll.u32 s1, $0x1  }
0x7: {  	s12 =	simm.s32 $0x0;
	s4 =	simm.s32 $0x1;
	s5 =	sor.u32 s6, s5  }
.Ltmp0:
0x8: {  	[sflag:s4] =	ssyncpa.u1 $0x0;
	p0 =	slt.u32 s5, $0xD;
	(pc) =	sbr.rel .LBB2_1-.Ltmp0, $4  }
0x9: {  	s6 =	simm.s32 $0x2;
	s7 =	simm.s32 @!p0 $0x0;
	p0 =	sne.s32 s5, $0xC  }
0xa: {  	[sflag:s6] =	ssyncpa.u1 $0x0;
	s5 =	smul.u32 $0x60, s5;
	s9 =	simm.s32 @!p0 $0x0  }
0xb: {  	s8 =	sadd.s32 $0x301800, s8;
	[sflag:s10] =	ssyncpa.u1 $0x0;
	s7 =	sadd.s32 s9, s7  }
0xc: {  	vm0 =	vmmov $0xffff;
	s10 =	simm.s32 $0x0;
	s11 =	smov.u32 s5;
	s9 =	sadd.s32 $0x1, s7  }
.LBB2_4:
0xd: {  	v2 =	vnsel vm1, $0x0, v2  }
0xe: {  	vm1 =	vgt.s32 v0, $0x0;
	v2 =	vmin.u32 v2, $0x7FFF  }
0xf: {  	v0 =	vnsel vm1, $0x0, v0  }
0x10: {  	v0 =	vmin.u32 v0, $0x7FFF  }
0x11: {  	[tilespmem:s18], [sflag:$0x1] =	stream.indirect_vreg.gather [hbm4b:s8+s10], $0x1, v1, vm0, $0x4038;
	[tilespmem:$0x180] =	vst v63  }
0x12: {  	(ifvalue) =	ssetifvalue $0x7FFFFFFF  }
0x13: {  	[tilespmem:s15], [sflag:$0x1] =	stream.indirect_vreg.gather [hbm4b:s8+s10], $0x1, v2, vm0, $0x4038;
	[tilespmem:$0x180] =	vst v63  }
0x14: {  	s29 =	sadd.s32 $0x10, s15;
	(ifvalue) =	ssetifvalue $0x7FFFFFFF  }
0x15: {  	[tilespmem:s29], [sflag:$0x1] =	stream.indirect_vreg.gather [hbm4b:s8+s10], $0x1, v0, vm0, $0x4038;
	[tilespmem:$0x180] =	vst v63  }
0x16: {  	_ =	swait.ge [sflag:s4], $0x60  }
0x17: {  	s30 =	sshrl.u32 s13, $0x3;
	[sflag:s4] =	ssyncset.done $0x0  }
0x18: {  	s31 =	sand.u32 $0x7, s13;
	s15 =	sadd.s32 s3, s30;
	[sflag:s4] =	ssyncadd.s32 $0xFFFFFFA0  }
0x19: {  	[hbm4b:s15+s31] =	stream.linear.scatter [tilespmem:s14], [sflag:$0x3], $0x60, $0x38;
	[tilespmem:$0x180] =	vst v63  }
.LBB2_5:
0x1a: {  	s15 =	sadd.s32 $0xC00, s11  }
0x1b: {  	p1 =	sgt.s32 s15, $0x107F  }
0x1c: {  	s15 =	smov.u32 @p1 s5;
	p1 =	sne.s32 s12, s9  }
.Ltmp1:
0x1d: {  	p0 =	slt.u32 s12, $0x2;
	(pc) =	sbr.rel @!p1 .LBB2_6-.Ltmp1, $4  }
0x1e: {  	s14 =	simm.s32 @!p0 $0x3  }
0x1f: {  	_ =	swait.ge @!p0 [sflag:s14], $0x60  }
0x20: {  	s16 =	sadd.s32 $0x1, s12;
	s13 =	smov.u32 s11;
	[sflag:s14] =	ssyncset.done @!p0 $0x0  }
0x21: {  	s12 =	smov.u32 s16;
	s11 =	smov.u32 s15;
	[sflag:s14] =	ssyncadd.s32 @!p0 $0xFFFFFFA0  }
.LBB2_1:
0x22: {  	p0 =	sge.u32 s12, s7  }
0x23: {  	s14 =	sxor.u32 @!p0 $0x1, s12  }
0x24: {  	s14 =	smul.u32 @!p0 $0x180, s14  }
0x25: {  	s31 =	sadd.s32 $0xFFFFFFFF, s12;
	s15 =	sshrl.u32 @!p0 s11, $0x3  }
0x26: {  	s16 =	sand.u32 @!p0 $0x7, s11;
	s15 =	sadd.s32 @!p0 s2, s15;
	s14 =	sshra.s32 @!p0 s14, $0x2  }
0x27: {  	[tilespmem:s14], [sflag:$0x2] =	stream.linear.gather @!p0 [hbm4b:s15+s16], $0x60, $0x38;
	[tilespmem:$0x180] =	vst v63  }
0x28: {  	p0 =	sge.u32 s31, s7  }
.Ltmp2:
0x29: {  	_ = 	snop;
	(pc) =	sbr.rel @p0 .LBB2_5-.Ltmp2, $1  }
0x2a: {  	_ =	sdelay $0x3  }
0x2b: {  	s14 =	sand.u32 $0x1, s12  }
0x2c: {  	_ =	swait.ge [sflag:s6], $0x60;
	p0 =	seq.s32 s14, $0x1;
	s14 =	simm.s32 $0x60  }
0x2d: {  	[sflag:s6] =	ssyncset.done $0x0;
	s14 =	simm.s32 @!p0 $0x0  }
0x2e: {  	[sflag:s6] =	ssyncadd.s32 $0xFFFFFFA0;
	(ifvalue) =	ssetifvalue $0x7FFFFFFF;
	v0 =	vld.msk [tilespmem:s14+$0x0 ss:$0x1], $0xffff;
	_ =	sdelay $0x4  }
0x2f: {  	s15 =	sadd.s32 $0x10, s14;
	vm1 =	vgt.s32 v0, $0x0  }
0x30: {  	v2 =	vld.msk [tilespmem:s15+$0x0 ss:$0x1], $0xffff;
	v1 =	vnsel vm1, $0x0, v0  }
0x31: {  	v1 =	vmin.u32 v1, $0x7FFF;
	_ =	sdelay $0x2  }
0x32: {  	s17 =	simm.s32 $0x20;
	s14 =	sadd.s32 $0xC0, s14;
	s16 =	sadd.s32 $0x10, s15  }
0x33: {  	s15 =	sadd.s32 $0x10, s14;
	s18 =	smov.u32 s14;
	v0 =	vld.msk [tilespmem:s16+$0x0 ss:$0x1], $0xffff;
	vm1 =	vgt.s32 v2, $0x0;
	(ifvalue) =	ssetifvalue $0x7FFFFFFF  }
.LBB2_3:
0x34: {  	[tilespmem:s18], [sflag:$0x1] =	stream.indirect_vreg.gather [hbm4b:s8+s10], $0x1, v1, vm0, $0x4038;
	[tilespmem:$0x180] =	vst v63  }
0x35: {  	s17 =	sadd.s32 $0x10, s17  }
0x36: {  	v2 =	vnsel vm1, $0x0, v2;
	p0 =	slt.u32 s17, $0x50  }
.Ltmp3:
0x37: {  	s18 =	smov.u32 s15;
	v1 =	vmin.u32 v2, $0x7FFF;
	(pc) =	sbr.rel @p0 .LBB2_3-.Ltmp3, $3  }
0x38: {  	_ =	sdelay $0x1  }
0x39: {  	s16 =	sadd.s32 $0x10, s16  }
0x3a: {  	vm1 =	vgt.s32 v0, $0x0;
	s15 =	sadd.s32 $0x10, s15;
	v2 =	vmov v0;
	(ifvalue) =	ssetifvalue $0x7FFFFFFF;
	v0 =	vld.msk [tilespmem:s16+$0x0 ss:$0x1], $0xffff  }
.Ltmp4:
0x3b: {  	_ = 	snop;
	(pc) =	sbr.rel .LBB2_4-.Ltmp4, $1  }
0x3c: {  	_ =	sdelay $0x3  }
.LBB2_6:
0x3d: {  	_ =	sfence.sel $0x180000  }
0x3e: {  	s2 =	simm.s32 $0x2;
	[bflag:$0x0] =	sbarrier.arrive $0xFFFF  }
0x3f: {  	s30 =	simm.s32 $0x3;
	[sflag:s2] =	ssyncpa.u1 $0x1  }
0x40: {  	s31 =	simm.s32 $0x1;
	[sflag:s30] =	ssyncpa.u1 $0x1  }
0x41: {  	[sflag:s31] =	ssyncpa.u1 $0x1  }
0x42: {  	p0 =	sne.s32 s1, $0x0;
	_ =	strace $0x90000053  }
0x43: {  	s0 =	sadd.s32 @!p0 $0x100000, s0;
	[bflag:$0x2] =	sbarrier.arrive $0xFFFF  }
0x44: {  	[sflag:s0] =	ssyncadd.tile.s32 @!p0 $0x1;
	_ =	shalt  }
.Lfunc_end2:
_tile_overlayer_lowered:
.L_overlay_start_2:
0x45: {  	(tag) =	ssettag $0x2  }
0x46: {  	s0 =	rddreg [dreg:$0x0];
	s2 =	stileid.u32  }
0x47: {  	s1 =	rddreg [dreg:$0x1];
	p0 =	sne.s32 s2, $0x0  }
0x48: {  	s3 =	rddreg [dreg:$0x2];
	[bflag:$0x3] =	sbarrier.arrive $0xFFFF;
	s2 =	simm.s32 @!p0 $0x1C01  }
0x49: {  	[timem:s3], [sflag:s2] =	dma.local @!p0 [hbm:s0], s1  }
0x4a: {  	s0 =	simm.s32 @!p0 $0x1  }
0x4b: {  	_ =	swait.ge @!p0 [sflag:s0], s1  }
0x4c: {  	s1 =	ssub.s32 @!p0 $0x0, s1;
	[sflag:s0] =	ssyncset.done @!p0 $0x0  }
0x4d: {  	[sflag:s0] =	ssyncadd.s32 @!p0 s1  }
0x4e: {  	[bflag:$0x3] =	sbarrier.arrive $0xFFFF  }
0x4f: {  	_ =	shalt  }

// kernel: gather_offload_async_start
scs
__scs_entry_jumppad:
0x0: {  	(pc) =	sbr.rel $0x88, $3  }
0x1: {  	(tag) =	ssettag $0x0;
	lr =	simm.s32 $0x1  }
0x2: {  	[smem:$0x3F95] =	sst lr;
	_ =	strace $0xD0000000  }
0x3: {  	_ = 	snop  }
0x4: {  	_ = 	snop  }
0x5: {  	_ = 	snop  }
0x6: {  	_ = 	snop  }
0x7: {  	_ = 	snop  }
__scs_overlays_trampoline_lowered:
0x8: {  	[smem:$0x3FA4] =	sst s0  }
0x9: {  	[smem:$0x3FA5] =	sst s1  }
0xa: {  	[smem:$0x3FA6] =	sst s2  }
0xb: {  	[smem:$0x3FA7] =	sst s3  }
0xc: {  	[smem:$0x3FA8] =	sst s4  }
0xd: {  	[smem:$0x3FA9] =	sst s5  }
0xe: {  	[smem:$0x3FAA] =	sst s6  }
0xf: {  	[smem:$0x3FAB] =	sst s7  }
0x10: {  	[smem:$0x3FAC] =	sst s8  }
0x11: {  	[smem:$0x3FAD] =	sst s9;
	s0 =	simm.s32 @!p0 $0x0  }
0x12: {  	s1 =	sld [smem:$0x3F93];
	s0 =	simm.s32 @p0 $0x1  }
0x13: {  	[smem:$0x3FAE] =	sst s0;
	s0 =	simm.s32 @!p1 $0x0  }
0x14: {  	s2 =	sld [smem:$0x3F92];
	s0 =	simm.s32 @p1 $0x1  }
0x15: {  	[smem:$0x3FAF] =	sst s0;
	s0 =	simm.s32 @!p2 $0x0  }
0x16: {  	s3 =	sld [smem:$0x3FDB];
	s0 =	simm.s32 @p2 $0x1  }
0x17: {  	s4 =	simm.s32 $0x1BF5;
	[smem:$0x3FB1] =	sst s0  }
0x18: {  	s0 =	sld [smem:$0x3F94];
	_ =	swait.ge [sflag:s4], $0x0  }
0x19: {  	s7 =	sld [smem:$0x3F95]  }
0x1a: {  	s8 =	sadd.s32 $0xFFFFE003, lr  }
0x1b: {  	s9 =	sadd.s32 $0xFFFFFEF7, lr;
	s5 =	simm.s32 $0xFFFFFFFF;
	p2 =	slt.u32 s8, $0xFFFFF086  }
0x1c: {  	p1 =	slt.u32 s9, $0xF7A;
	s5 =	simm.s32 @!p2 $0x0  }
0x1d: {  	s5 =	simm.s32 @p1 $0x1;
	p0 =	seq.s32 s7, s2  }
0x1e: {  	s7 =	smul.u32 @!p0 $0xF7A, s2;
	p2 =	seq.s32 @!p0 s5, $0x0  }
0x1f: {  	s9 =	smul.u32 $0xF7A, s1;
	s8 =	simm.s32 @!p0 $0x1BF5;
	p2 =	por !p2, p0  }
0x20: {  	[sflag:s8] =	ssyncset.s32 @!p0 $0xFFFFF086;
	s6 =	sadd.s32 @!p0 s3, s7;
	s7 =	simm.s32 @!p0 $0x108  }
0x21: {  	s3 =	sadd.s32 s3, s9;
	s6 =	sadd.s32 @!p0 $0x88, s6;
	s7 =	simm.s32 @p2 $0x1082  }
0x22: {  	[simem:s7], [sflag:s8] =	dma.local @!p0 [hbm:s6], $0xF7A  }
0x23: {  	s9 =	sor.u32 $0xD0000000, s2;
	s6 =	simm.s32 $0x108;
	_ =	swait.ge @!p0 [sflag:s8], $0x0  }
0x24: {  	s3 =	sadd.s32 $0x88, s3;
	s6 =	simm.s32 @!p1 $0x1082;
	[sflag:s4] =	ssyncset.s32 $0xFFFFF086  }
0x25: {  	[simem:s6], [sflag:s4] =	dma.local [hbm:s3], $0xF7A  }
0x26: {  	[smem:$0x3F95] =	sst s1;
	(tag) =	ssettag s2;
	_ =	strace s9  }
0x27: {  	s1 =	sld [smem:$0x3FA5]  }
0x28: {  	s2 =	sld [smem:$0x3FA6]  }
0x29: {  	s4 =	sld [smem:$0x3FA8]  }
0x2a: {  	p0 =	seq.s32 s5, $0x0;
	s5 =	sld [smem:$0x3FA9]  }
0x2b: {  	s6 =	sld [smem:$0x3FAA]  }
0x2c: {  	s7 =	sld [smem:$0x3FAB]  }
0x2d: {  	s3 =	simm.s32 $0x108;
	s8 =	sld [smem:$0x3FAC]  }
0x2e: {  	s3 =	simm.s32 @!p0 $0x1082;
	s9 =	sld [smem:$0x3FAD]  }
0x2f: {  	lr =	sadd.s32 s0, s3;
	s0 =	sld [smem:$0x3FA4]  }
0x30: {  	s3 =	sld [smem:$0x3FA7]  }
0x31: {  	[smem:$0x3FB0] =	sst s10  }
0x32: {  	s10 =	sld [smem:$0x3FAE];
	_ =	sdelay $0x3  }
0x33: {  	p0 =	seq.s32 s10, $0x1;
	s10 =	sld [smem:$0x3FB0];
	_ =	sdelay $0x3  }
0x34: {  	[smem:$0x3FB0] =	sst s10  }
0x35: {  	s10 =	sld [smem:$0x3FAF];
	_ =	sdelay $0x3  }
0x36: {  	p1 =	seq.s32 s10, $0x1;
	s10 =	sld [smem:$0x3FB0];
	_ =	sdelay $0x3  }
0x37: {  	[smem:$0x3FB0] =	sst s10  }
0x38: {  	s10 =	sld [smem:$0x3FB1]  }
0x39: {  	_ = 	snop;
	(pc) =	sbr.ind lr, $3  }
0x3a: {  	_ = 	snop  }
0x3b: {  	_ = 	snop  }
0x3c: {  	p2 =	seq.s32 s10, $0x1;
	s10 =	sld [smem:$0x3FB0]  }
0x3d: {  	_ =	shalt  }
0x3e: {  	_ =	shalt  }
0x3f: {  	_ =	shalt  }
0x40: {  	_ =	shalt  }
0x41: {  	_ =	shalt  }
0x42: {  	_ =	shalt  }
0x43: {  	_ =	shalt  }
0x44: {  	_ =	shalt  }
0x45: {  	_ =	shalt  }
0x46: {  	_ =	shalt  }
0x47: {  	_ =	shalt  }
0x48: {  	_ =	shalt  }
0x49: {  	_ =	shalt  }
0x4a: {  	_ =	shalt  }
0x4b: {  	_ =	shalt  }
0x4c: {  	_ =	shalt  }
0x4d: {  	_ =	shalt  }
0x4e: {  	_ =	shalt  }
0x4f: {  	_ =	shalt  }
0x50: {  	_ =	shalt  }
0x51: {  	_ =	shalt  }
0x52: {  	_ =	shalt  }
0x53: {  	_ =	shalt  }
0x54: {  	_ =	shalt  }
0x55: {  	_ =	shalt  }
0x56: {  	_ =	shalt  }
0x57: {  	_ =	shalt  }
0x58: {  	_ =	shalt  }
0x59: {  	_ =	shalt  }
0x5a: {  	_ =	shalt  }
0x5b: {  	_ =	shalt  }
0x5c: {  	_ =	shalt  }
0x5d: {  	_ =	shalt  }
0x5e: {  	_ =	shalt  }
0x5f: {  	_ =	shalt  }
0x60: {  	_ =	shalt  }
0x61: {  	_ =	shalt  }
0x62: {  	_ =	shalt  }
0x63: {  	_ =	shalt  }
0x64: {  	_ =	shalt  }
0x65: {  	_ =	shalt  }
0x66: {  	_ =	shalt  }
0x67: {  	_ =	shalt  }
0x68: {  	_ =	shalt  }
0x69: {  	_ =	shalt  }
0x6a: {  	_ =	shalt  }
0x6b: {  	_ =	shalt  }
0x6c: {  	_ =	shalt  }
0x6d: {  	_ =	shalt  }
0x6e: {  	_ =	shalt  }
0x6f: {  	_ =	shalt  }
0x70: {  	_ =	shalt  }
0x71: {  	_ =	shalt  }
0x72: {  	_ =	shalt  }
0x73: {  	_ =	shalt  }
0x74: {  	_ =	shalt  }
0x75: {  	_ =	shalt  }
0x76: {  	_ =	shalt  }
0x77: {  	_ =	shalt  }
0x78: {  	_ =	shalt  }
0x79: {  	_ =	shalt  }
0x7a: {  	_ =	shalt  }
0x7b: {  	_ =	shalt  }
0x7c: {  	_ =	shalt  }
0x7d: {  	_ =	shalt  }
0x7e: {  	_ =	shalt  }
0x7f: {  	_ =	shalt  }
0x80: {  	_ =	shalt  }
0x81: {  	_ =	shalt  }
0x82: {  	_ =	shalt  }
0x83: {  	_ =	shalt  }
0x84: {  	_ =	shalt  }
0x85: {  	_ =	shalt  }
0x86: {  	_ =	shalt  }
0x87: {  	_ =	shalt  }
.Lfunc_end0:
.L_simem_size_0:
called_computation.1_lowered:
.L_overlay_start_0:
0x88: {  	s2 =	sld [smem:$0x3FD9]  }
0x89: {  	s3 =	sld [smem:$0x3FFE];
	_ =	sdelay $0x1  }
0x8a: {  	s1 =	srdreg.scid  }
0x8b: {  	s0 =	sand.u32 $0x1, s1  }
0x8c: {  	s14 =	sshll.u32 s0, $0xA;
	s2 =	sadd.s32 s3, s2  }
0x8d: {  	s2 =	sadd.s32 s2, s14  }
0x8e: {  	[smem:$0x3FBC] =	sst s2  }
0x8f: {  	_ = 	snop  }
0x90: {  	s2 =	sld [smem:$0x3FD0];
	_ =	sdelay $0x2  }
0x91: {  	s15 =	simm.s32 $0xB;
	s4 =	simm.s32 $0x10  }
0x92: {  	[smem:s4], [sflag:s15] =	dma.local [hbm:s2], $0x1  }
0x93: {  	_ =	swait.eq [sflag:s15], $0x1  }
0x94: {  	[sflag:s15] =	ssyncset.done $0x0  }
0x95: {  	s16 =	sld [smem:$0x10];
	[sflag:s15] =	ssyncadd.s32 $0xFFFFFFFF  }
0x96: {  	s17 =	sld [smem:$0x11];
	(tm) =	ssettm $0x1  }
0x97: {  	s18 =	sld [smem:$0x3FFB];
	_ =	sdelay $0x3  }
0x98: {  	_ =	strace s18  }
0x99: {  	s4 =	sld [smem:$0x3FFC];
	_ =	sdelay $0x3  }
0x9a: {  	_ =	strace s4  }
0x9b: {  	s4 =	sld [smem:$0x3FFD];
	_ =	sdelay $0x3  }
0x9c: {  	_ =	strace s4  }
0x9d: {  	_ =	strace $0x8FFFFFFF  }
0x9e: {  	s19 =	sld [smem:$0x3FDB];
	_ =	sdelay $0x1  }
0x9f: {  	s5 =	simm.s32 $_scs_section_size  }
0xa0: {  	s6 =	simm.s32 $_size__tile_overlayer_lowered;
	s7 =	simm.s32 $_tile_overlayer_lowered  }
0xa1: {  	s22 =	simm.s32 $0x1BFF;
	s21 =	sshll.u32 s7, $0x1;
	s4 =	sadd.s32 s5, s19  }
0xa2: {  	s8 =	simm.s32 $0x0;
	s20 =	sshll.u32 s6, $0x1;
	s6 =	sadd.s32 s21, s4  }
0xa3: {  	[timem:s8], [sflag:s22] =	dma.local [hbm:s6], s20  }
0xa4: {  	_ =	swait.ge [sflag:s22], s20  }
0xa5: {  	s5 =	ssub.s32 $0x0, s20;
	[sflag:s22] =	ssyncset.done $0x0  }
0xa6: {  	[sflag:s22] =	ssyncadd.s32 s5;
	_ =	sdelay $0x1  }
0xa7: {  	s23 =	simm.s32 $0x1B8B  }
0xa8: {  	_ =	swait.ge [sflag:s23], $0x1  }
0xa9: {  	[sflag:s23] =	ssyncset.done $0x0  }
0xaa: {  	s25 =	simm.s32 $0x1B8E;
	s24 =	sld [smem:$0x3FFE];
	[sflag:s23] =	ssyncadd.s32 $0xFFFFFFFF  }
0xab: {  	s26 =	simm.s32 $execute0_lowered;
	[smem:$0x3FD2] =	sst s25  }
0xac: {  	s6 =	sshll.u32 s26, $0x1;
	_ =	strace $0x80000046;
	[dreg:$0x1] =	wrdreg $0xFFFFFFFF  }
0xad: {  	s28 =	simm.s32 $_size_execute0_lowered;
	s4 =	sadd.s32 s4, s6;
	[dreg:$0x0] =	wrdreg $0x0  }
0xae: {  	s6 =	sshll.u32 s28, $0x1;
	[dreg:$0x2] =	wrdreg s4  }
0xaf: {  	[dreg:$0x3] =	wrdreg s6  }
0xb0: {  	[dreg:$0x4] =	wrdreg $0xC0  }
0xb1: {  	_ =	task [dreg:s8], $0x5FFFF  }
0xb2: {  	[dreg:$0x1] =	wrdreg $0xFFFFFFFF  }
0xb3: {  	[dreg:$0x0] =	wrdreg $0x60  }
0xb4: {  	[dreg:$0x2] =	wrdreg s16  }
0xb5: {  	[dreg:$0x3] =	wrdreg s17  }
0xb6: {  	[dreg:$0x4] =	wrdreg s24  }
0xb7: {  	[dreg:$0x5] =	wrdreg $0x9  }
0xb8: {  	_ =	task.clear_ibuf [dreg:s8], $0x6FFFF;
	_ =	strace $0x90000046  }
0xb9: {  	s29 =	simm.s32 $0x9;
	_ =	strace $0x80000048  }
0xba: {  	_ =	swait.ge [sflag:s29], $0x1  }
0xbb: {  	[sflag:s29] =	ssyncadd.s32 $0xFFFFFFFF  }
0xbc: {  	_ =	strace $0x90000048  }
0xbd: {  	_ =	sfence  }
0xbe: {  	s30 =	sld [smem:$0x0];
	_ =	sdelay $0x2  }
0xbf: {  	s31 =	sshll.u32 s1, $0xD;
	s1 =	sshrl.u32 s1, $0x2  }
0xc0: {  	s3 =	sand.u32 $0x4000, s31;
	s1 =	sadd.s32 s1, s30  }
0xc1: {  	s0 =	sor.u32 s3, s0;
	s1 =	sshll.u32 s1, $0x11  }
0xc2: {  	s0 =	sor.u32 s1, s0  }
0xc3: {  	s0 =	sadd.s32 $0x8F2B, s0  }
0xc4: {  	[sflag:s0] =	ssyncadd.remote.s32 $0x1  }
0xc5: {  	_ =	sfence.sel $0xFFFF  }
0xc6: {  	[dreg:$0x0] =	wrdreg $0xFFFFFFFF;
	(pc) =	sbr.abs _section_cstart, $3  }
0xc7: {  	[dreg:$0x1] =	wrdreg $0xFFFFFFFF  }
0xc8: {  	_ =	task.clear_ibuf [dreg:s8], $0x2FFFF;
	_ =	strace $0x9FFFFFFF  }
0xc9: {  	(tm) =	ssettm $0x7FFFFFFF  }
tec
execute0_lowered:
.L_overlay_start_1:
0x0: {  	(tag) =	ssettag $0x1  }
0x1: {  	s2 =	rddreg [dreg:$0x0]  }
0x2: {  	s1 =	srdreg.scid;
	s3 =	rddreg [dreg:$0x1]  }
0x3: {  	s0 =	stileid.u32;
	s5 =	rddreg [dreg:$0x2]  }
0x4: {  	s9 =	simm.s32 $0x1;
	s10 =	simm.s32 $0x3;
	s1 =	sshll.u32 s1, $0x9  }
0x5: {  	s13 =	simm.s32 $0x0;
	s4 =	sshll.u32 s0, $0xA;
	s6 =	sand.u32 $0x200, s1  }
0x6: {  	s12 =	simm.s32 $0x0;
	s5 =	sadd.s32 $0x301800, s5;
	s4 =	sor.u32 s4, s6  }
0x7: {  	s1 =	rddreg [dreg:$0x3];
	_ =	strace $0x80000047;
	s8 =	ssub.s32 $0x8000, s4  }
.Ltmp0:
0x8: {  	s6 =	simm.s32 $0x1;
	s7 =	sand.u32 $0x3E00, s8;
	(pc) =	sbr.rel .LBB2_1-.Ltmp0, $4  }
0x9: {  	[sflag:s6] =	ssyncpa.u1 $0x0;
	s11 =	smov.u32 s4;
	p0 =	sne.s32 s7, $0x0  }
0xa: {  	s8 =	sshrl.u32 s8, $0xE;
	s7 =	simm.s32 $0x2;
	s9 =	simm.s32 @!p0 $0x0  }
0xb: {  	[sflag:s7] =	ssyncpa.u1 $0x0;
	p0 =	por $0x0, $0x0;
	s8 =	sadd.s32 s9, s8  }
0xc: {  	vm0 =	vmmov $0xffff;
	[sflag:s10] =	ssyncpa.u1 $0x0;
	s10 =	simm.s32 $0x0;
	s9 =	sadd.s32 $0x1, s8  }
.LBB2_4:
0xd: {  	v2 =	vnsel vm1, $0x0, v2  }
0xe: {  	vm1 =	vgt.s32 v0, $0x0;
	v2 =	vmin.u32 v2, $0x7FFF  }
0xf: {  	v0 =	vnsel vm1, $0x0, v0  }
0x10: {  	v0 =	vmin.u32 v0, $0x7FFF  }
0x11: {  	[tilespmem:s15], [sflag:$0x1] =	stream.indirect_vreg.gather [hbm4b:s2+s10], $0x1, v1, vm0, $0x4038;
	[tilespmem:$0x800] =	vst v63  }
0x12: {  	(ifvalue) =	ssetifvalue $0x7FFFFFFF  }
0x13: {  	[tilespmem:s16], [sflag:$0x1] =	stream.indirect_vreg.gather [hbm4b:s2+s10], $0x1, v2, vm0, $0x4038;
	[tilespmem:$0x800] =	vst v63  }
0x14: {  	s29 =	sadd.s32 $0x10, s16;
	(ifvalue) =	ssetifvalue $0x7FFFFFFF  }
0x15: {  	[tilespmem:s29], [sflag:$0x1] =	stream.indirect_vreg.gather [hbm4b:s2+s10], $0x1, v0, vm0, $0x4038;
	[tilespmem:$0x800] =	vst v63  }
0x16: {  	_ =	swait.ge [sflag:s6], $0x200  }
0x17: {  	s30 =	sshrl.u32 s13, $0x3;
	[sflag:s6] =	ssyncset.done $0x0  }
0x18: {  	s31 =	sand.u32 $0x7, s13;
	s15 =	sadd.s32 s5, s30;
	[sflag:s6] =	ssyncadd.s32 $0xFFFFFE00  }
0x19: {  	[hbm4b:s15+s31] =	stream.linear.scatter [tilespmem:s14], [sflag:$0x3], $0x200, $0x38;
	[tilespmem:$0x800] =	vst v63  }
.LBB2_5:
0x1a: {  	s15 =	sadd.s32 $0x4000, s11  }
0x1b: {  	p2 =	sgt.s32 s15, $0x7FFF  }
0x1c: {  	s15 =	smov.u32 @p2 s4;
	p2 =	sne.s32 s12, s9  }
.Ltmp1:
0x1d: {  	p1 =	slt.u32 s12, $0x2;
	(pc) =	sbr.rel @!p2 .LBB2_6-.Ltmp1, $4  }
0x1e: {  	s14 =	simm.s32 @!p1 $0x3  }
0x1f: {  	s16 =	sadd.s32 $0x1, s12;
	_ =	swait.ge @!p1 [sflag:s14], $0x200  }
0x20: {  	s13 =	smov.u32 s11;
	p0 =	por !p0, !p0;
	[sflag:s14] =	ssyncset.done @!p1 $0x0  }
0x21: {  	s12 =	smov.u32 s16;
	s11 =	smov.u32 s15;
	[sflag:s14] =	ssyncadd.s32 @!p1 $0xFFFFFE00  }
.LBB2_1:
0x22: {  	p1 =	sge.u32 s12, s8  }
0x23: {  	s14 =	sxor.u32 @!p1 $0xFFFFFFFF, s12  }
0x24: {  	s31 =	sadd.s32 $0xFFFFFFFF, s12;
	s15 =	sshrl.u32 @!p1 s11, $0x3;
	s14 =	sshll.u32 @!p1 s14, $0x9  }
0x25: {  	s16 =	sand.u32 @!p1 $0x7, s11;
	s15 =	sadd.s32 @!p1 s3, s15;
	s14 =	sand.u32 @!p1 $0x200, s14  }
0x26: {  	[tilespmem:s14], [sflag:$0x2] =	stream.linear.gather @!p1 [hbm4b:s15+s16], $0x200, $0x38;
	[tilespmem:$0x800] =	vst v63  }
0x27: {  	p1 =	sge.u32 s31, s8  }
.Ltmp2:
0x28: {  	_ = 	snop;
	(pc) =	sbr.rel @p1 .LBB2_5-.Ltmp2, $1  }
0x29: {  	_ =	sdelay $0x3  }
0x2a: {  	s14 =	simm.s32 $0x1  }
0x2b: {  	_ =	swait.ge [sflag:s7], $0x200;
	s14 =	simm.s32 @!p0 $0x0  }
0x2c: {  	[sflag:s7] =	ssyncset.done $0x0;
	s14 =	sshll.u32 s14, $0x9  }
0x2d: {  	[sflag:s7] =	ssyncadd.s32 $0xFFFFFE00;
	(ifvalue) =	ssetifvalue $0x7FFFFFFF;
	v0 =	vld.msk [tilespmem:s14+$0x0 ss:$0x1], $0xffff;
	_ =	sdelay $0x4  }
0x2e: {  	s15 =	sadd.s32 $0x10, s14;
	vm1 =	vgt.s32 v0, $0x0  }
0x2f: {  	v2 =	vld.msk [tilespmem:s15+$0x0 ss:$0x1], $0xffff;
	v1 =	vnsel vm1, $0x0, v0  }
0x30: {  	v1 =	vmin.u32 v1, $0x7FFF;
	_ =	sdelay $0x1  }
0x31: {  	s16 =	sshll.u32 s12, $0x9;
	s18 =	simm.s32 $0x20  }
0x32: {  	s16 =	sand.u32 $0x200, s16;
	s17 =	sadd.s32 $0x10, s15;
	s15 =	sor.u32 $0x400, s14  }
0x33: {  	s14 =	sor.u32 $0x400, s16;
	s16 =	sadd.s32 $0x10, s15;
	v0 =	vld.msk [tilespmem:s17+$0x0 ss:$0x1], $0xffff;
	vm1 =	vgt.s32 v2, $0x0;
	(ifvalue) =	ssetifvalue $0x7FFFFFFF  }
.LBB2_3:
0x34: {  	[tilespmem:s15], [sflag:$0x1] =	stream.indirect_vreg.gather [hbm4b:s2+s10], $0x1, v1, vm0, $0x4038;
	[tilespmem:$0x800] =	vst v63  }
0x35: {  	s18 =	sadd.s32 $0x10, s18  }
0x36: {  	v2 =	vnsel vm1, $0x0, v2;
	p1 =	slt.u32 s18, $0x1F0  }
.Ltmp3:
0x37: {  	s15 =	smov.u32 s16;
	v1 =	vmin.u32 v2, $0x7FFF;
	(pc) =	sbr.rel @p1 .LBB2_3-.Ltmp3, $3  }
0x38: {  	_ =	sdelay $0x1  }
0x39: {  	s17 =	sadd.s32 $0x10, s17  }
0x3a: {  	vm1 =	vgt.s32 v0, $0x0;
	s16 =	sadd.s32 $0x10, s16;
	v2 =	vmov v0;
	(ifvalue) =	ssetifvalue $0x7FFFFFFF;
	v0 =	vld.msk [tilespmem:s17+$0x0 ss:$0x1], $0xffff  }
.Ltmp4:
0x3b: {  	_ = 	snop;
	(pc) =	sbr.rel .LBB2_4-.Ltmp4, $1  }
0x3c: {  	_ =	sdelay $0x3  }
.LBB2_6:
0x3d: {  	_ =	sfence.sel $0x180000  }
0x3e: {  	s2 =	simm.s32 $0x2;
	[bflag:$0x0] =	sbarrier.arrive $0xFFFF  }
0x3f: {  	s30 =	simm.s32 $0x3;
	[sflag:s2] =	ssyncpa.u1 $0x1  }
0x40: {  	s31 =	simm.s32 $0x1;
	[sflag:s30] =	ssyncpa.u1 $0x1  }
0x41: {  	[sflag:s31] =	ssyncpa.u1 $0x1  }
0x42: {  	p0 =	sne.s32 s0, $0x0;
	_ =	strace $0x90000047  }
0x43: {  	s0 =	sadd.s32 @!p0 $0x100000, s1;
	[bflag:$0x2] =	sbarrier.arrive $0xFFFF  }
0x44: {  	[sflag:s0] =	ssyncadd.tile.s32 @!p0 $0x1;
	_ =	shalt  }
.Lfunc_end2:
_tile_overlayer_lowered:
.L_overlay_start_2:
0x45: {  	(tag) =	ssettag $0x2  }
0x46: {  	s0 =	rddreg [dreg:$0x0];
	s2 =	stileid.u32  }
0x47: {  	s1 =	rddreg [dreg:$0x1];
	p0 =	sne.s32 s2, $0x0  }
0x48: {  	s3 =	rddreg [dreg:$0x2];
	[bflag:$0x3] =	sbarrier.arrive $0xFFFF;
	s2 =	simm.s32 @!p0 $0x1C01  }
0x49: {  	[timem:s3], [sflag:s2] =	dma.local @!p0 [hbm:s0], s1  }
0x4a: {  	s0 =	simm.s32 @!p0 $0x1  }
0x4b: {  	_ =	swait.ge @!p0 [sflag:s0], s1  }
0x4c: {  	s1 =	ssub.s32 @!p0 $0x0, s1;
	[sflag:s0] =	ssyncset.done @!p0 $0x0  }
0x4d: {  	[sflag:s0] =	ssyncadd.s32 @!p0 s1  }
0x4e: {  	[bflag:$0x3] =	sbarrier.arrive $0xFFFF  }
0x4f: {  	_ =	shalt  }

// kernel: scatter_offload_async_start
scs
__scs_entry_jumppad:
0x0: {  	(pc) =	sbr.rel $0x88, $3  }
0x1: {  	(tag) =	ssettag $0x0;
	lr =	simm.s32 $0x1  }
0x2: {  	[smem:$0x3F95] =	sst lr;
	_ =	strace $0xD0000000  }
0x3: {  	_ = 	snop  }
0x4: {  	_ = 	snop  }
0x5: {  	_ = 	snop  }
0x6: {  	_ = 	snop  }
0x7: {  	_ = 	snop  }
__scs_overlays_trampoline_lowered:
0x8: {  	[smem:$0x3FA4] =	sst s0  }
0x9: {  	[smem:$0x3FA5] =	sst s1  }
0xa: {  	[smem:$0x3FA6] =	sst s2  }
0xb: {  	[smem:$0x3FA7] =	sst s3  }
0xc: {  	[smem:$0x3FA8] =	sst s4  }
0xd: {  	[smem:$0x3FA9] =	sst s5  }
0xe: {  	[smem:$0x3FAA] =	sst s6  }
0xf: {  	[smem:$0x3FAB] =	sst s7  }
0x10: {  	[smem:$0x3FAC] =	sst s8  }
0x11: {  	[smem:$0x3FAD] =	sst s9;
	s0 =	simm.s32 @!p0 $0x0  }
0x12: {  	s1 =	sld [smem:$0x3F93];
	s0 =	simm.s32 @p0 $0x1  }
0x13: {  	[smem:$0x3FAE] =	sst s0;
	s0 =	simm.s32 @!p1 $0x0  }
0x14: {  	s2 =	sld [smem:$0x3F92];
	s0 =	simm.s32 @p1 $0x1  }
0x15: {  	[smem:$0x3FAF] =	sst s0;
	s0 =	simm.s32 @!p2 $0x0  }
0x16: {  	s3 =	sld [smem:$0x3FDB];
	s0 =	simm.s32 @p2 $0x1  }
0x17: {  	s4 =	simm.s32 $0x1BF5;
	[smem:$0x3FB1] =	sst s0  }
0x18: {  	s0 =	sld [smem:$0x3F94];
	_ =	swait.ge [sflag:s4], $0x0  }
0x19: {  	s7 =	sld [smem:$0x3F95]  }
0x1a: {  	s8 =	sadd.s32 $0xFFFFE003, lr  }
0x1b: {  	s9 =	sadd.s32 $0xFFFFFEF7, lr;
	s5 =	simm.s32 $0xFFFFFFFF;
	p2 =	slt.u32 s8, $0xFFFFF086  }
0x1c: {  	p1 =	slt.u32 s9, $0xF7A;
	s5 =	simm.s32 @!p2 $0x0  }
0x1d: {  	s5 =	simm.s32 @p1 $0x1;
	p0 =	seq.s32 s7, s2  }
0x1e: {  	s7 =	smul.u32 @!p0 $0xF7A, s2;
	p2 =	seq.s32 @!p0 s5, $0x0  }
0x1f: {  	s9 =	smul.u32 $0xF7A, s1;
	s8 =	simm.s32 @!p0 $0x1BF5;
	p2 =	por !p2, p0  }
0x20: {  	[sflag:s8] =	ssyncset.s32 @!p0 $0xFFFFF086;
	s6 =	sadd.s32 @!p0 s3, s7;
	s7 =	simm.s32 @!p0 $0x108  }
0x21: {  	s3 =	sadd.s32 s3, s9;
	s6 =	sadd.s32 @!p0 $0x88, s6;
	s7 =	simm.s32 @p2 $0x1082  }
0x22: {  	[simem:s7], [sflag:s8] =	dma.local @!p0 [hbm:s6], $0xF7A  }
0x23: {  	s9 =	sor.u32 $0xD0000000, s2;
	s6 =	simm.s32 $0x108;
	_ =	swait.ge @!p0 [sflag:s8], $0x0  }
0x24: {  	s3 =	sadd.s32 $0x88, s3;
	s6 =	simm.s32 @!p1 $0x1082;
	[sflag:s4] =	ssyncset.s32 $0xFFFFF086  }
0x25: {  	[simem:s6], [sflag:s4] =	dma.local [hbm:s3], $0xF7A  }
0x26: {  	[smem:$0x3F95] =	sst s1;
	(tag) =	ssettag s2;
	_ =	strace s9  }
0x27: {  	s1 =	sld [smem:$0x3FA5]  }
0x28: {  	s2 =	sld [smem:$0x3FA6]  }
0x29: {  	s4 =	sld [smem:$0x3FA8]  }
0x2a: {  	p0 =	seq.s32 s5, $0x0;
	s5 =	sld [smem:$0x3FA9]  }
0x2b: {  	s6 =	sld [smem:$0x3FAA]  }
0x2c: {  	s7 =	sld [smem:$0x3FAB]  }
0x2d: {  	s3 =	simm.s32 $0x108;
	s8 =	sld [smem:$0x3FAC]  }
0x2e: {  	s3 =	simm.s32 @!p0 $0x1082;
	s9 =	sld [smem:$0x3FAD]  }
0x2f: {  	lr =	sadd.s32 s0, s3;
	s0 =	sld [smem:$0x3FA4]  }
0x30: {  	s3 =	sld [smem:$0x3FA7]  }
0x31: {  	[smem:$0x3FB0] =	sst s10  }
0x32: {  	s10 =	sld [smem:$0x3FAE];
	_ =	sdelay $0x3  }
0x33: {  	p0 =	seq.s32 s10, $0x1;
	s10 =	sld [smem:$0x3FB0];
	_ =	sdelay $0x3  }
0x34: {  	[smem:$0x3FB0] =	sst s10  }
0x35: {  	s10 =	sld [smem:$0x3FAF];
	_ =	sdelay $0x3  }
0x36: {  	p1 =	seq.s32 s10, $0x1;
	s10 =	sld [smem:$0x3FB0];
	_ =	sdelay $0x3  }
0x37: {  	[smem:$0x3FB0] =	sst s10  }
0x38: {  	s10 =	sld [smem:$0x3FB1]  }
0x39: {  	_ = 	snop;
	(pc) =	sbr.ind lr, $3  }
0x3a: {  	_ = 	snop  }
0x3b: {  	_ = 	snop  }
0x3c: {  	p2 =	seq.s32 s10, $0x1;
	s10 =	sld [smem:$0x3FB0]  }
0x3d: {  	_ =	shalt  }
0x3e: {  	_ =	shalt  }
0x3f: {  	_ =	shalt  }
0x40: {  	_ =	shalt  }
0x41: {  	_ =	shalt  }
0x42: {  	_ =	shalt  }
0x43: {  	_ =	shalt  }
0x44: {  	_ =	shalt  }
0x45: {  	_ =	shalt  }
0x46: {  	_ =	shalt  }
0x47: {  	_ =	shalt  }
0x48: {  	_ =	shalt  }
0x49: {  	_ =	shalt  }
0x4a: {  	_ =	shalt  }
0x4b: {  	_ =	shalt  }
0x4c: {  	_ =	shalt  }
0x4d: {  	_ =	shalt  }
0x4e: {  	_ =	shalt  }
0x4f: {  	_ =	shalt  }
0x50: {  	_ =	shalt  }
0x51: {  	_ =	shalt  }
0x52: {  	_ =	shalt  }
0x53: {  	_ =	shalt  }
0x54: {  	_ =	shalt  }
0x55: {  	_ =	shalt  }
0x56: {  	_ =	shalt  }
0x57: {  	_ =	shalt  }
0x58: {  	_ =	shalt  }
0x59: {  	_ =	shalt  }
0x5a: {  	_ =	shalt  }
0x5b: {  	_ =	shalt  }
0x5c: {  	_ =	shalt  }
0x5d: {  	_ =	shalt  }
0x5e: {  	_ =	shalt  }
0x5f: {  	_ =	shalt  }
0x60: {  	_ =	shalt  }
0x61: {  	_ =	shalt  }
0x62: {  	_ =	shalt  }
0x63: {  	_ =	shalt  }
0x64: {  	_ =	shalt  }
0x65: {  	_ =	shalt  }
0x66: {  	_ =	shalt  }
0x67: {  	_ =	shalt  }
0x68: {  	_ =	shalt  }
0x69: {  	_ =	shalt  }
0x6a: {  	_ =	shalt  }
0x6b: {  	_ =	shalt  }
0x6c: {  	_ =	shalt  }
0x6d: {  	_ =	shalt  }
0x6e: {  	_ =	shalt  }
0x6f: {  	_ =	shalt  }
0x70: {  	_ =	shalt  }
0x71: {  	_ =	shalt  }
0x72: {  	_ =	shalt  }
0x73: {  	_ =	shalt  }
0x74: {  	_ =	shalt  }
0x75: {  	_ =	shalt  }
0x76: {  	_ =	shalt  }
0x77: {  	_ =	shalt  }
0x78: {  	_ =	shalt  }
0x79: {  	_ =	shalt  }
0x7a: {  	_ =	shalt  }
0x7b: {  	_ =	shalt  }
0x7c: {  	_ =	shalt  }
0x7d: {  	_ =	shalt  }
0x7e: {  	_ =	shalt  }
0x7f: {  	_ =	shalt  }
0x80: {  	_ =	shalt  }
0x81: {  	_ =	shalt  }
0x82: {  	_ =	shalt  }
0x83: {  	_ =	shalt  }
0x84: {  	_ =	shalt  }
0x85: {  	_ =	shalt  }
0x86: {  	_ =	shalt  }
0x87: {  	_ =	shalt  }
.Lfunc_end0:
.L_simem_size_0:
called_computation_lowered:
.L_overlay_start_0:
0x88: {  	s0 =	sld [smem:$0x3FD9]  }
0x89: {  	s1 =	sld [smem:$0x3FFE];
	_ =	sdelay $0x3  }
0x8a: {  	s0 =	sadd.s32 s1, s0  }
0x8b: {  	[smem:$0x3FBC] =	sst s0  }
0x8c: {  	_ = 	snop  }
0x8d: {  	s0 =	sld [smem:$0x3FD0];
	_ =	sdelay $0x2  }
0x8e: {  	s13 =	simm.s32 $0xB;
	s2 =	simm.s32 $0x10  }
0x8f: {  	[smem:s2], [sflag:s13] =	dma.local [hbm:s0], $0x1  }
0x90: {  	_ =	swait.eq [sflag:s13], $0x1  }
0x91: {  	[sflag:s13] =	ssyncset.done $0x0  }
0x92: {  	[sflag:s13] =	ssyncadd.s32 $0xFFFFFFFF  }
0x93: {  	s14 =	sld [smem:$0x10];
	(tm) =	ssettm $0x1  }
0x94: {  	s15 =	sld [smem:$0x3FFB];
	_ =	sdelay $0x3  }
0x95: {  	_ =	strace s15  }
0x96: {  	s1 =	sld [smem:$0x3FFC];
	_ =	sdelay $0x3  }
0x97: {  	_ =	strace s1  }
0x98: {  	s1 =	sld [smem:$0x3FFD];
	_ =	sdelay $0x3  }
0x99: {  	_ =	strace s1  }
0x9a: {  	_ =	strace $0x8FFFFFFF  }
0x9b: {  	s16 =	sld [smem:$0x3FDB];
	_ =	sdelay $0x1  }
0x9c: {  	s17 =	simm.s32 $_scs_section_size  }
0x9d: {  	s3 =	simm.s32 $_size__tile_overlayer_lowered;
	s4 =	simm.s32 $_tile_overlayer_lowered  }
0x9e: {  	s20 =	simm.s32 $0x1BFF;
	s19 =	sshll.u32 s4, $0x1;
	s1 =	sadd.s32 s17, s16  }
0x9f: {  	s5 =	simm.s32 $0x0;
	s18 =	sshll.u32 s3, $0x1;
	s3 =	sadd.s32 s19, s1  }
0xa0: {  	[timem:s5], [sflag:s20] =	dma.local [hbm:s3], s18  }
0xa1: {  	_ =	swait.ge [sflag:s20], s18  }
0xa2: {  	s2 =	ssub.s32 $0x0, s18;
	[sflag:s20] =	ssyncset.done $0x0  }
0xa3: {  	[sflag:s20] =	ssyncadd.s32 s2;
	_ =	sdelay $0x1  }
0xa4: {  	s21 =	simm.s32 $0x1B8B  }
0xa5: {  	_ =	swait.ge [sflag:s21], $0x1  }
0xa6: {  	[sflag:s21] =	ssyncset.done $0x0  }
0xa7: {  	s23 =	simm.s32 $0x1B8E;
	s22 =	sld [smem:$0x3FFE];
	[sflag:s21] =	ssyncadd.s32 $0xFFFFFFFF  }
0xa8: {  	s24 =	simm.s32 $execute0_lowered;
	[smem:$0x3FD2] =	sst s23  }
0xa9: {  	s3 =	sshll.u32 s24, $0x1;
	_ =	strace $0x80000049;
	[dreg:$0x1] =	wrdreg $0xFFFFFFFF  }
0xaa: {  	s25 =	simm.s32 $_size_execute0_lowered;
	s1 =	sadd.s32 s1, s3;
	[dreg:$0x0] =	wrdreg $0x0  }
0xab: {  	s3 =	sshll.u32 s25, $0x1;
	[dreg:$0x2] =	wrdreg s1  }
0xac: {  	[dreg:$0x3] =	wrdreg s3  }
0xad: {  	[dreg:$0x4] =	wrdreg $0xC0  }
0xae: {  	_ =	task [dreg:s5], $0x5FFFF  }
0xaf: {  	[dreg:$0x1] =	wrdreg $0xFFFFFFFF  }
0xb0: {  	[dreg:$0x0] =	wrdreg $0x60  }
0xb1: {  	[dreg:$0x2] =	wrdreg s22  }
0xb2: {  	[dreg:$0x3] =	wrdreg s14  }
0xb3: {  	[dreg:$0x4] =	wrdreg $0x9  }
0xb4: {  	_ =	task.clear_ibuf [dreg:s5], $0x5FFFF;
	_ =	strace $0x90000049  }
0xb5: {  	s26 =	simm.s32 $0x9;
	_ =	strace $0x8000004B  }
0xb6: {  	_ =	swait.ge [sflag:s26], $0x1  }
0xb7: {  	[sflag:s26] =	ssyncadd.s32 $0xFFFFFFFF  }
0xb8: {  	_ =	strace $0x9000004B  }
0xb9: {  	_ =	sfence  }
0xba: {  	s28 =	sld [smem:$0x0];
	_ =	sdelay $0x1  }
0xbb: {  	s29 =	srdreg.scid  }
0xbc: {  	s30 =	sshll.u32 s29, $0xD;
	s31 =	sshrl.u32 s29, $0x2  }
0xbd: {  	s2 =	sand.u32 $0x4000, s30;
	s1 =	sand.u32 $0x1, s29;
	s0 =	sadd.s32 s31, s28  }
0xbe: {  	s1 =	sor.u32 s2, s1;
	s0 =	sshll.u32 s0, $0x11  }
0xbf: {  	s0 =	sor.u32 s0, s1  }
0xc0: {  	s0 =	sadd.s32 $0x8F2B, s0  }
0xc1: {  	[sflag:s0] =	ssyncadd.remote.s32 $0x1  }
0xc2: {  	_ =	sfence.sel $0xFFFF  }
0xc3: {  	[dreg:$0x0] =	wrdreg $0xFFFFFFFF;
	(pc) =	sbr.abs _section_cstart, $3  }
0xc4: {  	[dreg:$0x1] =	wrdreg $0xFFFFFFFF  }
0xc5: {  	_ =	task.clear_ibuf [dreg:s5], $0x2FFFF;
	_ =	strace $0x9FFFFFFF  }
0xc6: {  	(tm) =	ssettm $0x7FFFFFFF  }
0xc7: {  	_ =	shalt  }
tec
execute0_lowered:
.L_overlay_start_1:
0x0: {  	(tag) =	ssettag $0x1  }
0x1: {  	s2 =	rddreg [dreg:$0x0]  }
0x2: {  	s3 =	rddreg [dreg:$0x1]  }
0x3: {  	s0 =	rddreg [dreg:$0x2];
	_ =	strace $0x8000004A;
	s4 =	stileid.u32  }
0x4: {  	s5 =	simm.s32 $0x3E;
	s1 =	sadd.s32 $0x101A00, s2;
	p0 =	sne.s32 s4, $0x0  }
0x5: {  	[sflag:s5] =	ssyncpa.u1 $0x0;
	s6 =	simm.s32 @!p0 $0x1C3E;
	s7 =	simm.s32 @!p0 $0x0  }
0x6: {  	[spmem:s7], [sflag:s6] =	dma.local @!p0 [hbm:s1], $0x280  }
0x7: {  	s6 =	simm.s32 @!p0 $0x3E  }
0x8: {  	_ =	swait.ge @!p0 [sflag:s6], $0x280  }
0x9: {  	[sflag:s6] =	ssyncset.done @!p0 $0x0  }
0xa: {  	[sflag:s6] =	ssyncadd.s32 @!p0 $0xFFFFFD80  }
0xb: {  	s28 =	simm.s32 $0x1;
	s29 =	simm.s32 $0x2;
	[bflag:$0x0] =	sbarrier.arrive $0xFFFF  }
0xc: {  	s31 =	simm.s32 $0x940;
	s30 =	sadd.s32 $0x101E00, s2;
	[sflag:s5] =	ssyncpa.u1 $0x1  }
0xd: {  	s4 =	sshll.u32 s4, $0x8;
	s2 =	simm.s32 $0x0;
	[sflag:s28] =	ssyncpa.u1 $0x0  }
0xe: {  	s3 =	sadd.s32 s3, s4;
	(ifvalue) =	ssetifvalue $0x1400;
	[sflag:s29] =	ssyncpa.u1 $0x0  }
0xf: {  	[tilespmem:s31], [sflag:$0x2] =	stream.linear.gather [hbm4b:s3+s2], $0x800, $0x38;
	[tilespmem:$0x2140] =	vst v63  }
0x10: {  	s4 =	sadd.s32 s30, s4;
	s3 =	simm.s32 $0x1940  }
0x11: {  	[tilespmem:s3], [sflag:$0x2] =	stream.linear.gather [hbm4b:s4+s2], $0x800, $0x38;
	[tilespmem:$0x2140] =	vst v63  }
0x12: {  	_ =	swait.ge [sflag:s29], $0x1000  }
0x13: {  	[sflag:s29] =	ssyncset.done $0x0  }
0x14: {  	[sflag:s29] =	ssyncadd.s32 $0xFFFFF000  }
0x15: {  	v0 =	vld.msk [tilespmem:s31+$0x0 ss:$0x1], $0xffff;
	_ =	sdelay $0x4  }
0x16: {  	v0 =	vmin.u32 v0, $0x1400;
	_ =	sdelay $0x3  }
0x17: {  	vm0 =	vmmov $0xffff;
	s5 =	simm.s32 $0x950;
	s4 =	simm.s32 $0x0  }
0x18: {  	[spmem:s2] =	stream.indirect_vreg.scatter.add.s32 [tilespmem:s3], [sflag:$0x1], $0x1, v0, vm0, $0x4038;
	[tilespmem:$0x2140] =	vst v63  }
.LBB2_1:
0x19: {  	v0 =	vld.msk [tilespmem:s5+$0x0 ss:$0x1], $0xffff;
	s4 =	sadd.s32 $0x10, s4  }
0x1a: {  	p1 =	slt.u32 s4, $0x7F0;
	_ =	sdelay $0x4  }
0x1b: {  	v0 =	vmin.u32 v0, $0x1400  }
.Ltmp0:
0x1c: {  	(pc) =	sbr.rel @p1 .LBB2_1-.Ltmp0, $3  }
0x1d: {  	_ =	sdelay $0x1  }
0x1e: {  	s5 =	sadd.s32 $0x10, s5;
	s3 =	sadd.s32 $0x10, s3  }
0x1f: {  	[spmem:s2] =	stream.indirect_vreg.scatter.add.s32 [tilespmem:s3], [sflag:$0x1], $0x1, v0, vm0, $0x4038;
	[tilespmem:$0x2140] =	vst v63  }
0x20: {  	s2 =	simm.s32 $0x1  }
0x21: {  	_ =	swait.ge [sflag:s2], $0x800  }
0x22: {  	[sflag:s2] =	ssyncset.done $0x0  }
0x23: {  	[sflag:s2] =	ssyncadd.s32 $0xFFFFF800  }
0x24: {  	_ =	sfence.sel $0x180000  }
0x25: {  	s3 =	simm.s32 $0x2;
	[bflag:$0x0] =	sbarrier.arrive $0xFFFF  }
0x26: {  	[sflag:s3] =	ssyncpa.u1 $0x1  }
0x27: {  	[sflag:s2] =	ssyncpa.u1 $0x1  }
0x28: {  	_ =	sfence.stream.spmem  }
0x29: {  	s31 =	simm.s32 $0x3D;
	[bflag:$0x0] =	sbarrier.arrive $0xFFFF  }
0x2a: {  	s2 =	simm.s32 @p0 $0x3D;
	[sflag:s31] =	ssyncpa.u1 $0x0  }
0x2b: {  	[sflag:s2] =	ssyncpa.u1 @p0 $0x1  }
0x2c: {  	[bflag:$0x0] =	sbarrier.arrive @p0 $0xFFFF  }
0x2d: {  	_ =	strace @p0 $0x9000004A  }
0x2e: {  	s3 =	simm.s32 @!p0 $0x1C3D;
	s2 =	simm.s32 @!p0 $0x0;
	[bflag:$0x2] =	sbarrier.arrive @p0 $0xFFFF  }
0x2f: {  	[hbm:s1], [sflag:s3] =	dma.local @!p0 [spmem:s2], $0x280  }
0x30: {  	s1 =	simm.s32 @!p0 $0x3D  }
0x31: {  	_ =	swait.ge @!p0 [sflag:s1], $0x280  }
0x32: {  	[sflag:s1] =	ssyncset.done @!p0 $0x0  }
0x33: {  	[sflag:s1] =	ssyncadd.s32 @!p0 $0xFFFFFD80  }
0x34: {  	[sflag:s1] =	ssyncpa.u1 @!p0 $0x1  }
0x35: {  	[bflag:$0x0] =	sbarrier.arrive @!p0 $0xFFFF  }
0x36: {  	_ =	strace @!p0 $0x9000004A  }
0x37: {  	s0 =	sadd.s32 @!p0 $0x100000, s0;
	[bflag:$0x2] =	sbarrier.arrive @!p0 $0xFFFF  }
0x38: {  	[sflag:s0] =	ssyncadd.tile.s32 @!p0 $0x1;
	_ =	shalt  }
.Lfunc_end2:
_tile_overlayer_lowered:
.L_overlay_start_2:
0x39: {  	(tag) =	ssettag $0x2  }
0x3a: {  	s0 =	rddreg [dreg:$0x0];
	s2 =	stileid.u32  }
0x3b: {  	s1 =	rddreg [dreg:$0x1];
	p0 =	sne.s32 s2, $0x0  }
0x3c: {  	s3 =	rddreg [dreg:$0x2];
	[bflag:$0x3] =	sbarrier.arrive $0xFFFF;
	s2 =	simm.s32 @!p0 $0x1C01  }
0x3d: {  	[timem:s3], [sflag:s2] =	dma.local @!p0 [hbm:s0], s1  }
0x3e: {  	s0 =	simm.s32 @!p0 $0x1  }
0x3f: {  	_ =	swait.ge @!p0 [sflag:s0], s1  }
0x40: {  	s1 =	ssub.s32 @!p0 $0x0, s1;
	[sflag:s0] =	ssyncset.done @!p0 $0x0  }
0x41: {  	[sflag:s0] =	ssyncadd.s32 @!p0 s1  }
0x42: {  	[bflag:$0x3] =	sbarrier.arrive $0xFFFF  }
0x43: {  	_ =	shalt  }

</sc_bundles>
